<compile_context>
chip_gen: v7x
topology: tpu7x:2x2x1
jax: 0.10.2.dev20260603
libtpu: 0.0.44.dev20260713+nightly
codegen_flags: <defaults>
</compile_context>

<pallas_src>
import functools

import jax
import jax.numpy as jnp
from jax import lax
from jax.experimental import pallas as pl
from jax.experimental.pallas import tpu as pltpu
from jax.experimental.pallas import tpu_sc as plsc

_N = 10000
_E = 320000
_D = 128
_EPS = 1e-5

_NC = 2
_NS = 16
_NW = _NC * _NS
_TRASH = 112
_NP = _N + _TRASH
_STRIPE = _NP // _NS
_K = 128
_RW = 80
_RH = 40
_EROWS = _NW * _RW
_EPAD = _EROWS * _K

_mesh = plsc.VectorSubcoreMesh(
    core_axis_name="c", subcore_axis_name="s",
    num_cores=_NC, num_subcores=_NS)


_HB = _K * _K


@functools.partial(
    pl.kernel,
    out_type=jax.ShapeDtypeStruct((_NW * _HB,), jnp.float32),
    mesh=_mesh,
    compiler_params=pltpu.CompilerParams(needs_layout_passes=False),
    scratch_types=[
        pltpu.VMEM((_RW * _K,), jnp.int32),
        pltpu.VMEM((_HB,), jnp.float32),
    ],
)
def _deg_kernel(dst_hbm, z_hbm, out_hbm, dst_v, hist):
    c = lax.axis_index("c")
    s = lax.axis_index("s")
    w = c * _NS + s
    pltpu.sync_copy(z_hbm, hist)
    pltpu.sync_copy(dst_hbm.at[pl.ds(w * _RW * _K, _RW * _K)], dst_v)

    def body(g, carry):
        for k in range(8):
            idx = dst_v[pl.ds((g * 8 + k) * 16, 16)]
            cnt, last = plsc.scan_count(idx)
            plsc.addupdate_scatter(hist, [idx], cnt.astype(jnp.float32),
                                   mask=last)
        return carry

    lax.fori_loop(0, _RW, body, 0)
    pltpu.sync_copy(hist, out_hbm.at[pl.ds(w * _HB, _HB)])


@functools.partial(
    pl.kernel,
    out_type=jax.ShapeDtypeStruct((_NC * _NP, _D), jnp.float32),
    mesh=_mesh,
    scratch_types=[
        pltpu.VMEM((_RH, _K), jnp.int32),
        pltpu.VMEM((_RH, _K), jnp.int32),
        pltpu.VMEM((_K, _D), jnp.float32),
        pltpu.VMEM((_K, _D), jnp.float32),
        pltpu.VMEM_SHARED((_NP, _D), jnp.float32),
        pltpu.SemaphoreType.DMA,
        pltpu.SemaphoreType.DMA,
        pltpu.SemaphoreType.DMA,
        pltpu.SemaphoreType.DMA,
    ],
)
def _scatter_kernel(m_hbm, src_hbm, dst_hbm, z_hbm, out_hbm,
                    src_v, dst_v, rows0, rows1, acc,
                    gsem0, gsem1, ssem0, ssem1):
    c = lax.axis_index("c")
    s = lax.axis_index("s")
    pltpu.sync_copy(z_hbm.at[pl.ds(s * _STRIPE, _STRIPE)],
                    acc.at[pl.ds(s * _STRIPE, _STRIPE)])
    w = c * _NS + s
    plsc.subcore_barrier()

    for h in range(_RW // _RH):
        base = w * _RW + h * _RH
        pltpu.sync_copy(src_hbm.at[pl.ds(base, _RH)], src_v)
        pltpu.sync_copy(dst_hbm.at[pl.ds(base, _RH)], dst_v)
        pltpu.async_copy(m_hbm.at[src_v.at[0]], rows0, gsem0)

        def pair(i, carry):
            g = 2 * i
            pltpu.make_async_copy(m_hbm.at[src_v.at[g]], rows0, gsem0).wait()
            pltpu.async_copy(rows0, acc.at[dst_v.at[g]], ssem0, add=True)

            @pl.when(i > 0)
            def _():
                pltpu.make_async_copy(rows1, acc.at[dst_v.at[g - 1]],
                                      ssem1).wait()

            pltpu.async_copy(m_hbm.at[src_v.at[g + 1]], rows1, gsem1)
            pltpu.make_async_copy(m_hbm.at[src_v.at[g + 1]], rows1,
                                  gsem1).wait()
            pltpu.async_copy(rows1, acc.at[dst_v.at[g + 1]], ssem1, add=True)
            pltpu.make_async_copy(rows0, acc.at[dst_v.at[g]], ssem0).wait()

            @pl.when(i < _RH // 2 - 1)
            def _():
                pltpu.async_copy(m_hbm.at[src_v.at[g + 2]], rows0, gsem0)

            return carry

        lax.fori_loop(0, _RH // 2, pair, 0)
        pltpu.make_async_copy(rows1, acc.at[dst_v.at[_RH - 1]], ssem1).wait()
    plsc.subcore_barrier()
    pltpu.sync_copy(acc.at[pl.ds(s * _STRIPE, _STRIPE)],
                    out_hbm.at[pl.ds(c * _NP + s * _STRIPE, _STRIPE)])


def _tc1a_body(x_ref, fcw_ref, fcb_ref, bn0g_ref, bn0b_ref, h0_ref):
    x = x_ref[...]
    h = jnp.dot(x, fcw_ref[...], preferred_element_type=jnp.float32)
    h = h + fcb_ref[...]
    mu = jnp.mean(h, axis=0, keepdims=True)
    xc = h - mu
    var = jnp.mean(xc * xc, axis=0, keepdims=True)
    h0_ref[...] = jax.nn.relu(bn0g_ref[...] * xc * lax.rsqrt(var + _EPS)
                              + bn0b_ref[...])


_tc1a = pl.pallas_call(
    _tc1a_body,
    out_shape=jax.ShapeDtypeStruct((_N, _D), jnp.float32),
)


def _tc1b_body(h0_ref, c1w_ref, degp_ref, m1_ref, dinv_ref):
    degp = degp_ref[...]
    dsum = jnp.sum(degp.reshape(_NW, _HB), axis=0)
    deg = dsum.reshape(_HB, 1)[0:_N] + 1.0
    dinv = lax.rsqrt(deg)
    m1 = jnp.dot(dinv * h0_ref[...], c1w_ref[...],
                 preferred_element_type=jnp.float32)
    m1_ref[...] = m1
    dinv_ref[...] = dinv


_tc1b = pl.pallas_call(
    _tc1b_body,
    out_shape=(
        jax.ShapeDtypeStruct((_N, _D), jnp.float32),
        jax.ShapeDtypeStruct((_N, 1), jnp.float32),
    ),
)


def _tc2_body(accp_ref, m1_ref, dinv_ref, h0_ref, c1b_ref, bn1g_ref,
              bn1b_ref, c2w_ref, m2_ref):
    a = accp_ref[...]
    agg = a[0:_N] + a[_NP:_NP + _N]
    dinv = dinv_ref[...]
    t = dinv * (agg + m1_ref[...]) + c1b_ref[...]
    mu = jnp.mean(t, axis=0, keepdims=True)
    xc = t - mu
    var = jnp.mean(xc * xc, axis=0, keepdims=True)
    h1 = jax.nn.relu(bn1g_ref[...] * xc * lax.rsqrt(var + _EPS)
                     + bn1b_ref[...]) + h0_ref[...]
    m2_ref[...] = jnp.dot(dinv * h1, c2w_ref[...],
                          preferred_element_type=jnp.float32)


_tc2 = pl.pallas_call(
    _tc2_body,
    out_shape=jax.ShapeDtypeStruct((_N, _D), jnp.float32),
)


def _tc3_body(accp_ref, m2_ref, dinv_ref, h0_ref, c2b_ref, bn2g_ref,
              bn2b_ref, out_ref):
    a = accp_ref[...]
    agg = a[0:_N] + a[_NP:_NP + _N]
    dinv = dinv_ref[...]
    t = dinv * (agg + m2_ref[...]) + c2b_ref[...]
    mu = jnp.mean(t, axis=0, keepdims=True)
    xc = t - mu
    var = jnp.mean(xc * xc, axis=0, keepdims=True)
    out_ref[...] = jax.nn.relu(bn2g_ref[...] * xc * lax.rsqrt(var + _EPS)
                               + bn2b_ref[...]) + h0_ref[...]


_tc3 = pl.pallas_call(
    _tc3_body,
    out_shape=jax.ShapeDtypeStruct((_N, _D), jnp.float32),
)


def kernel(x, edge_index, params):
    src = edge_index[0]
    dst = edge_index[1]
    pad = _EPAD - _E
    padi = jnp.arange(pad, dtype=jnp.int32)
    src2d = jnp.concatenate([src, padi % _TRASH]).reshape(_EROWS, _K)
    dst2d = jnp.concatenate(
        [dst, _N + (padi % _TRASH)]).reshape(_EROWS, _K)
    zmat = jnp.zeros((_NP, _D), jnp.float32)
    zflat = jnp.zeros((_HB,), jnp.float32)

    p = params
    row = lambda v: v.reshape(1, _D)

    degp = _deg_kernel(dst2d.reshape(_EPAD), zflat)
    h0 = _tc1a(x, p['fc_w'], row(p['fc_b']), row(p['bn0_g']),
               row(p['bn0_b']))
    m1, dinv = _tc1b(h0, p['conv1_w'], degp)
    acc1 = _scatter_kernel(m1, src2d, dst2d, zmat)
    m2 = _tc2(acc1, m1, dinv, h0, row(p['conv1_b']), row(p['bn1_g']),
              row(p['bn1_b']), p['conv2_w'])
    acc2 = _scatter_kernel(m2, src2d, dst2d, zmat)
    out = _tc3(acc2, m2, dinv, h0, row(p['conv2_b']), row(p['bn2_g']),
               row(p['bn2_b']))
    return out

# --- scband reference (transcript-rebuilt; emitter-appended) ---
"""Pipeline reference for scband-graph-module-16149077033381 (READ-ONLY COPY).

The authoritative reference and input builder live on the scoring server;
editing this copy changes nothing except your own understanding.
"""

import jax, jax.numpy as jnp
import numpy as np

N = 10000
E = 320000
D = 128
EPS = 1e-5


def _init_linear(key, fan_in, fan_out):
    kw, kb = jax.random.split(key)
    bound = 1.0 / np.sqrt(fan_in)
    W = jax.random.uniform(kw, (fan_in, fan_out), minval=-bound, maxval=bound, dtype=jnp.float32)
    b = jax.random.uniform(kb, (fan_out,), minval=-bound, maxval=bound, dtype=jnp.float32)
    return W, b


def setup_inputs(seed: int = 0) -> dict:
    key = jax.random.key(seed)
    kx, ke, k0, k1, k2 = jax.random.split(key, 5)
    x = jax.random.normal(kx, (N, D), dtype=jnp.float32)
    edge_index = jax.random.randint(ke, (2, E), 0, N, dtype=jnp.int32)
    fc_w, fc_b = _init_linear(k0, D, D)
    c1_w, c1_b = _init_linear(k1, D, D)
    c2_w, c2_b = _init_linear(k2, D, D)
    params = {
        'fc_w': fc_w, 'fc_b': fc_b,
        'conv1_w': c1_w, 'conv1_b': c1_b,
        'conv2_w': c2_w, 'conv2_b': c2_b,
        'bn0_g': jnp.ones((D,), jnp.float32), 'bn0_b': jnp.zeros((D,), jnp.float32),
        'bn1_g': jnp.ones((D,), jnp.float32), 'bn1_b': jnp.zeros((D,), jnp.float32),
        'bn2_g': jnp.ones((D,), jnp.float32), 'bn2_b': jnp.zeros((D,), jnp.float32),
    }
    return {'x': x, 'edge_index': edge_index, 'params': params}


def _batch_norm(h, g, b):
    mu = jnp.mean(h, axis=0)
    var = jnp.var(h, axis=0)
    return g * (h - mu) / jnp.sqrt(var + EPS) + b


def _gcn_conv(h, src, dst, norm, W, b):
    # GCNConv: linear transform, then symmetric-normalized scatter-add aggregation
    h = h @ W
    msg = jnp.take(h, src, axis=0) * norm[:, None]
    out = jnp.zeros((N, h.shape[1]), h.dtype).at[dst].add(msg)
    return out + b


def _gcn_norm(edge_index):
    # add self-loops, compute D^{-1/2} A_hat D^{-1/2} edge weights
    loop = jnp.arange(N, dtype=edge_index.dtype)
    src = jnp.concatenate([edge_index[0], loop])
    dst = jnp.concatenate([edge_index[1], loop])
    deg = jnp.zeros((N,), jnp.float32).at[dst].add(1.0)
    dinv = jnp.where(deg > 0, 1.0 / jnp.sqrt(deg), 0.0)
    norm = dinv[src] * dinv[dst]
    return src, dst, norm


def reference(x, edge_index, params):
    src, dst, norm = _gcn_norm(edge_index)
    h = x @ params['fc_w'] + params['fc_b']
    h = jax.nn.relu(_batch_norm(h, params['bn0_g'], params['bn0_b']))
    # dropout is identity in eval mode
    last = h
    for i in (1, 2):
        h = _gcn_conv(h, src, dst, norm, params['conv%d_w' % i], params['conv%d_b' % i])
        h = jax.nn.relu(_batch_norm(h, params['bn%d_g' % i], params['bn%d_b' % i]))
        h = h + last
    return h

if __name__ == "__main__":
    import jax
    _d = setup_inputs()
    print(jax.jit(kernel)(*tuple(_d.values())))

</pallas_src>

<mosaic_0001>
#map = affine_map<(d0, d1) -> (0)>
module attributes {stable_mosaic.version = 14 : i64} {
  func.func @_deg_kernel(%arg0: i32, %arg1: i32, %arg2: memref<327680xi32, #tpu.memory_space<hbm>>, %arg3: memref<16384xf32, #tpu.memory_space<hbm>>, %arg4: memref<524288xf32, #tpu.memory_space<hbm>>, %arg5: memref<10240xi32, #tpu.memory_space<vmem>>, %arg6: memref<16384xf32, #tpu.memory_space<vmem>>) attributes {dimension_semantics = [#tpu.dimension_semantics<core_parallel>, #tpu.dimension_semantics<subcore_parallel>], iteration_bounds = array<i64: 2, 16>, scalar_prefetch = 0 : i64, scratch_operands = 2 : i64, tpu.core_type = #tpu.core_type<sc_vector_subcore>, window_params = [{transform_indices = #map}, {transform_indices = #map}, {transform_indices = #map}]} {
    %mul3A = arith.constant 16 : i32
    %mul3A_0 = arith.muli %arg0, %mul3A : i32
    %add3A = arith.addi %mul3A_0, %arg1 : i32
    "tpu.region"() ({
      %run_scoped3A = tpu.sem_alloc : memref<!tpu.dma_semaphore, #tpu.memory_space<semaphore_mem>>
      tpu.enqueue_dma source(%arg3 : memref<16384xf32, #tpu.memory_space<hbm>>) target(%arg6 : memref<16384xf32, #tpu.memory_space<vmem>>) target_semaphore(%run_scoped3A : memref<!tpu.dma_semaphore, #tpu.memory_space<semaphore_mem>>)
      tpu.wait_dma2 semaphore(%run_scoped3A : memref<!tpu.dma_semaphore, #tpu.memory_space<semaphore_mem>>) src(%arg3 : memref<16384xf32, #tpu.memory_space<hbm>>) dst(%arg6 : memref<16384xf32, #tpu.memory_space<vmem>>)
      tpu.yield
    }) : () -> ()
    %mul3A_1 = arith.constant 80 : i32
    %mul3A_2 = arith.muli %add3A, %mul3A_1 : i32
    %mul3A_3 = arith.constant 128 : i32
    %mul3A_4 = arith.muli %mul3A_2, %mul3A_3 : i32
    "tpu.region"() ({
      %run_scoped3A = tpu.sem_alloc : memref<!tpu.dma_semaphore, #tpu.memory_space<semaphore_mem>>
      %dma_start3A = tpu.memref_slice %arg2[%mul3A_4] : memref<327680xi32, #tpu.memory_space<hbm>> -> memref<10240xi32, #tpu.memory_space<hbm>>
      %dma_start3A_12 = tpu.memref_slice %arg2[%mul3A_4] : memref<327680xi32, #tpu.memory_space<hbm>> -> memref<10240xi32, #tpu.memory_space<hbm>>
      tpu.enqueue_dma source(%dma_start3A_12 : memref<10240xi32, #tpu.memory_space<hbm>>) target(%arg5 : memref<10240xi32, #tpu.memory_space<vmem>>) target_semaphore(%run_scoped3A : memref<!tpu.dma_semaphore, #tpu.memory_space<semaphore_mem>>)
      %dma_wait3A = tpu.memref_slice %arg2[%mul3A_4] : memref<327680xi32, #tpu.memory_space<hbm>> -> memref<10240xi32, #tpu.memory_space<hbm>>
      %dma_wait3A_13 = tpu.memref_slice %arg2[%mul3A_4] : memref<327680xi32, #tpu.memory_space<hbm>> -> memref<10240xi32, #tpu.memory_space<hbm>>
      tpu.wait_dma2 semaphore(%run_scoped3A : memref<!tpu.dma_semaphore, #tpu.memory_space<semaphore_mem>>) src(%dma_wait3A_13 : memref<10240xi32, #tpu.memory_space<hbm>>) dst(%arg5 : memref<10240xi32, #tpu.memory_space<vmem>>)
      tpu.yield
    }) : () -> ()
    %scan3A = arith.constant 0 : i32
    %scan3A_5 = arith.constant 0 : i32
    %scan3A_6 = arith.constant 80 : i32
    %scan3A_7 = arith.addi %scan3A_5, %scan3A_6 : i32
    %scan3A_8 = arith.constant 1 : i32
    scf.for %scan3A_12 = %scan3A_5 to %scan3A_7 step %scan3A_8  : i32 {
      %mul3A_13 = arith.constant 8 : i32
      %mul3A_14 = arith.muli %scan3A_12, %mul3A_13 : i32
      %add3A_15 = arith.constant 0 : i32
      %add3A_16 = arith.addi %mul3A_14, %add3A_15 : i32
      %mul3A_17 = arith.constant 16 : i32
      %mul3A_18 = arith.muli %add3A_16, %mul3A_17 : i32
      %get3A = arith.index_cast %mul3A_18 : i32 to index
      %get3A_19 = tpu.vector_load %arg5[%get3A] {strides = array<i32>} : memref<10240xi32, #tpu.memory_space<vmem>>, vector<16xi32>,
      %broadcast_in_dim3A = arith.constant true
      %broadcast_in_dim3A_20 = vector.broadcast %broadcast_in_dim3A : i1 to vector<16xi1>
      %unique3A, %unique3A_21 = tpu.scan_count mask(%broadcast_in_dim3A_20 : vector<16xi1>) value(%get3A_19 : vector<16xi32>) : vector<16xi1>, vector<16xi32>
      %convert_element_type3A = arith.sitofp %unique3A_21 : vector<16xi32> to vector<16xf32>
      tpu.vector_store_idx %arg6[%get3A_19], %convert_element_type3A masked %unique3A {add = true} : memref<16384xf32, #tpu.memory_space<vmem>>[vector<16xi32>], vector<16xf32>, vector<16xi1>
      %mul3A_22 = arith.constant 8 : i32
      %mul3A_23 = arith.muli %scan3A_12, %mul3A_22 : i32
      %add3A_24 = arith.constant 1 : i32
      %add3A_25 = arith.addi %mul3A_23, %add3A_24 : i32
      %mul3A_26 = arith.constant 16 : i32
      %mul3A_27 = arith.muli %add3A_25, %mul3A_26 : i32
      %get3A_28 = arith.index_cast %mul3A_27 : i32 to index
      %get3A_29 = tpu.vector_load %arg5[%get3A_28] {strides = array<i32>} : memref<10240xi32, #tpu.memory_space<vmem>>, vector<16xi32>,
      %broadcast_in_dim3A_30 = arith.constant true
      %broadcast_in_dim3A_31 = vector.broadcast %broadcast_in_dim3A_30 : i1 to vector<16xi1>
      %unique3A_32, %unique3A_33 = tpu.scan_count mask(%broadcast_in_dim3A_31 : vector<16xi1>) value(%get3A_29 : vector<16xi32>) : vector<16xi1>, vector<16xi32>
      %convert_element_type3A_34 = arith.sitofp %unique3A_33 : vector<16xi32> to vector<16xf32>
      tpu.vector_store_idx %arg6[%get3A_29], %convert_element_type3A_34 masked %unique3A_32 {add = true} : memref<16384xf32, #tpu.memory_space<vmem>>[vector<16xi32>], vector<16xf32>, vector<16xi1>
      %mul3A_35 = arith.constant 8 : i32
      %mul3A_36 = arith.muli %scan3A_12, %mul3A_35 : i32
      %add3A_37 = arith.constant 2 : i32
      %add3A_38 = arith.addi %mul3A_36, %add3A_37 : i32
      %mul3A_39 = arith.constant 16 : i32
      %mul3A_40 = arith.muli %add3A_38, %mul3A_39 : i32
      %get3A_41 = arith.index_cast %mul3A_40 : i32 to index
      %get3A_42 = tpu.vector_load %arg5[%get3A_41] {strides = array<i32>} : memref<10240xi32, #tpu.memory_space<vmem>>, vector<16xi32>,
      %broadcast_in_dim3A_43 = arith.constant true
      %broadcast_in_dim3A_44 = vector.broadcast %broadcast_in_dim3A_43 : i1 to vector<16xi1>
      %unique3A_45, %unique3A_46 = tpu.scan_count mask(%broadcast_in_dim3A_44 : vector<16xi1>) value(%get3A_42 : vector<16xi32>) : vector<16xi1>, vector<16xi32>
      %convert_element_type3A_47 = arith.sitofp %unique3A_46 : vector<16xi32> to vector<16xf32>
      tpu.vector_store_idx %arg6[%get3A_42], %convert_element_type3A_47 masked %unique3A_45 {add = true} : memref<16384xf32, #tpu.memory_space<vmem>>[vector<16xi32>], vector<16xf32>, vector<16xi1>
      %mul3A_48 = arith.constant 8 : i32
      %mul3A_49 = arith.muli %scan3A_12, %mul3A_48 : i32
      %add3A_50 = arith.constant 3 : i32
      %add3A_51 = arith.addi %mul3A_49, %add3A_50 : i32
      %mul3A_52 = arith.constant 16 : i32
      %mul3A_53 = arith.muli %add3A_51, %mul3A_52 : i32
      %get3A_54 = arith.index_cast %mul3A_53 : i32 to index
      %get3A_55 = tpu.vector_load %arg5[%get3A_54] {strides = array<i32>} : memref<10240xi32, #tpu.memory_space<vmem>>, vector<16xi32>,
      %broadcast_in_dim3A_56 = arith.constant true
      %broadcast_in_dim3A_57 = vector.broadcast %broadcast_in_dim3A_56 : i1 to vector<16xi1>
      %unique3A_58, %unique3A_59 = tpu.scan_count mask(%broadcast_in_dim3A_57 : vector<16xi1>) value(%get3A_55 : vector<16xi32>) : vector<16xi1>, vector<16xi32>
      %convert_element_type3A_60 = arith.sitofp %unique3A_59 : vector<16xi32> to vector<16xf32>
      tpu.vector_store_idx %arg6[%get3A_55], %convert_element_type3A_60 masked %unique3A_58 {add = true} : memref<16384xf32, #tpu.memory_space<vmem>>[vector<16xi32>], vector<16xf32>, vector<16xi1>
      %mul3A_61 = arith.constant 8 : i32
      %mul3A_62 = arith.muli %scan3A_12, %mul3A_61 : i32
      %add3A_63 = arith.constant 4 : i32
      %add3A_64 = arith.addi %mul3A_62, %add3A_63 : i32
      %mul3A_65 = arith.constant 16 : i32
      %mul3A_66 = arith.muli %add3A_64, %mul3A_65 : i32
      %get3A_67 = arith.index_cast %mul3A_66 : i32 to index
      %get3A_68 = tpu.vector_load %arg5[%get3A_67] {strides = array<i32>} : memref<10240xi32, #tpu.memory_space<vmem>>, vector<16xi32>,
      %broadcast_in_dim3A_69 = arith.constant true
      %broadcast_in_dim3A_70 = vector.broadcast %broadcast_in_dim3A_69 : i1 to vector<16xi1>
      %unique3A_71, %unique3A_72 = tpu.scan_count mask(%broadcast_in_dim3A_70 : vector<16xi1>) value(%get3A_68 : vector<16xi32>) : vector<16xi1>, vector<16xi32>
      %convert_element_type3A_73 = arith.sitofp %unique3A_72 : vector<16xi32> to vector<16xf32>
      tpu.vector_store_idx %arg6[%get3A_68], %convert_element_type3A_73 masked %unique3A_71 {add = true} : memref<16384xf32, #tpu.memory_space<vmem>>[vector<16xi32>], vector<16xf32>, vector<16xi1>
      %mul3A_74 = arith.constant 8 : i32
      %mul3A_75 = arith.muli %scan3A_12, %mul3A_74 : i32
      %add3A_76 = arith.constant 5 : i32
      %add3A_77 = arith.addi %mul3A_75, %add3A_76 : i32
      %mul3A_78 = arith.constant 16 : i32
      %mul3A_79 = arith.muli %add3A_77, %mul3A_78 : i32
      %get3A_80 = arith.index_cast %mul3A_79 : i32 to index
      %get3A_81 = tpu.vector_load %arg5[%get3A_80] {strides = array<i32>} : memref<10240xi32, #tpu.memory_space<vmem>>, vector<16xi32>,
      %broadcast_in_dim3A_82 = arith.constant true
      %broadcast_in_dim3A_83 = vector.broadcast %broadcast_in_dim3A_82 : i1 to vector<16xi1>
      %unique3A_84, %unique3A_85 = tpu.scan_count mask(%broadcast_in_dim3A_83 : vector<16xi1>) value(%get3A_81 : vector<16xi32>) : vector<16xi1>, vector<16xi32>
      %convert_element_type3A_86 = arith.sitofp %unique3A_85 : vector<16xi32> to vector<16xf32>
      tpu.vector_store_idx %arg6[%get3A_81], %convert_element_type3A_86 masked %unique3A_84 {add = true} : memref<16384xf32, #tpu.memory_space<vmem>>[vector<16xi32>], vector<16xf32>, vector<16xi1>
      %mul3A_87 = arith.constant 8 : i32
      %mul3A_88 = arith.muli %scan3A_12, %mul3A_87 : i32
      %add3A_89 = arith.constant 6 : i32
      %add3A_90 = arith.addi %mul3A_88, %add3A_89 : i32
      %mul3A_91 = arith.constant 16 : i32
      %mul3A_92 = arith.muli %add3A_90, %mul3A_91 : i32
      %get3A_93 = arith.index_cast %mul3A_92 : i32 to index
      %get3A_94 = tpu.vector_load %arg5[%get3A_93] {strides = array<i32>} : memref<10240xi32, #tpu.memory_space<vmem>>, vector<16xi32>,
      %broadcast_in_dim3A_95 = arith.constant true
      %broadcast_in_dim3A_96 = vector.broadcast %broadcast_in_dim3A_95 : i1 to vector<16xi1>
      %unique3A_97, %unique3A_98 = tpu.scan_count mask(%broadcast_in_dim3A_96 : vector<16xi1>) value(%get3A_94 : vector<16xi32>) : vector<16xi1>, vector<16xi32>
      %convert_element_type3A_99 = arith.sitofp %unique3A_98 : vector<16xi32> to vector<16xf32>
      tpu.vector_store_idx %arg6[%get3A_94], %convert_element_type3A_99 masked %unique3A_97 {add = true} : memref<16384xf32, #tpu.memory_space<vmem>>[vector<16xi32>], vector<16xf32>, vector<16xi1>
      %mul3A_100 = arith.constant 8 : i32
      %mul3A_101 = arith.muli %scan3A_12, %mul3A_100 : i32
      %add3A_102 = arith.constant 7 : i32
      %add3A_103 = arith.addi %mul3A_101, %add3A_102 : i32
      %mul3A_104 = arith.constant 16 : i32
      %mul3A_105 = arith.muli %add3A_103, %mul3A_104 : i32
      %get3A_106 = arith.index_cast %mul3A_105 : i32 to index
      %get3A_107 = tpu.vector_load %arg5[%get3A_106] {strides = array<i32>} : memref<10240xi32, #tpu.memory_space<vmem>>, vector<16xi32>,
      %broadcast_in_dim3A_108 = arith.constant true
      %broadcast_in_dim3A_109 = vector.broadcast %broadcast_in_dim3A_108 : i1 to vector<16xi1>
      %unique3A_110, %unique3A_111 = tpu.scan_count mask(%broadcast_in_dim3A_109 : vector<16xi1>) value(%get3A_107 : vector<16xi32>) : vector<16xi1>, vector<16xi32>
      %convert_element_type3A_112 = arith.sitofp %unique3A_111 : vector<16xi32> to vector<16xf32>
      tpu.vector_store_idx %arg6[%get3A_107], %convert_element_type3A_112 masked %unique3A_110 {add = true} : memref<16384xf32, #tpu.memory_space<vmem>>[vector<16xi32>], vector<16xf32>, vector<16xi1>
    }
    %scan3A_9 = arith.constant 80 : i32
    %mul3A_10 = arith.constant 16384 : i32
    %mul3A_11 = arith.muli %add3A, %mul3A_10 : i32
    "tpu.region"() ({
      %run_scoped3A = tpu.sem_alloc : memref<!tpu.dma_semaphore, #tpu.memory_space<semaphore_mem>>
      %dma_start3A = tpu.memref_slice %arg4[%mul3A_11] : memref<524288xf32, #tpu.memory_space<hbm>> -> memref<16384xf32, #tpu.memory_space<hbm>>
      %dma_start3A_12 = tpu.memref_slice %arg4[%mul3A_11] : memref<524288xf32, #tpu.memory_space<hbm>> -> memref<16384xf32, #tpu.memory_space<hbm>>
      tpu.enqueue_dma source(%arg6 : memref<16384xf32, #tpu.memory_space<vmem>>) target(%dma_start3A_12 : memref<16384xf32, #tpu.memory_space<hbm>>) target_semaphore(%run_scoped3A : memref<!tpu.dma_semaphore, #tpu.memory_space<semaphore_mem>>)
      %dma_wait3A = tpu.memref_slice %arg4[%mul3A_11] : memref<524288xf32, #tpu.memory_space<hbm>> -> memref<16384xf32, #tpu.memory_space<hbm>>
      %dma_wait3A_13 = tpu.memref_slice %arg4[%mul3A_11] : memref<524288xf32, #tpu.memory_space<hbm>> -> memref<16384xf32, #tpu.memory_space<hbm>>
      tpu.wait_dma2 semaphore(%run_scoped3A : memref<!tpu.dma_semaphore, #tpu.memory_space<semaphore_mem>>) src(%arg6 : memref<16384xf32, #tpu.memory_space<vmem>>) dst(%dma_wait3A_13 : memref<16384xf32, #tpu.memory_space<hbm>>)
      tpu.yield
    }) : () -> ()
    return
  }
}

#map = affine_map<(d0, d1) -> (0, 0)>
module attributes {stable_mosaic.version = 14 : i64} {
  func.func @_scatter_kernel(%arg0: i32, %arg1: i32, %arg2: memref<10000x128xf32, #tpu.memory_space<hbm>>, %arg3: memref<2560x128xi32, #tpu.memory_space<hbm>>, %arg4: memref<2560x128xi32, #tpu.memory_space<hbm>>, %arg5: memref<10112x128xf32, #tpu.memory_space<hbm>>, %arg6: memref<20224x128xf32, #tpu.memory_space<hbm>>, %arg7: memref<40x128xi32, #tpu.memory_space<vmem>>, %arg8: memref<40x128xi32, #tpu.memory_space<vmem>>, %arg9: memref<128x128xf32, #tpu.memory_space<vmem>>, %arg10: memref<128x128xf32, #tpu.memory_space<vmem>>, %arg11: memref<10112x128xf32, #tpu.memory_space<vmem_shared>>, %arg12: memref<!tpu.dma_semaphore, #tpu.memory_space<semaphore_mem>>, %arg13: memref<!tpu.dma_semaphore, #tpu.memory_space<semaphore_mem>>, %arg14: memref<!tpu.dma_semaphore, #tpu.memory_space<semaphore_mem>>, %arg15: memref<!tpu.dma_semaphore, #tpu.memory_space<semaphore_mem>>) attributes {dimension_semantics = [#tpu.dimension_semantics<core_parallel>, #tpu.dimension_semantics<subcore_parallel>], iteration_bounds = array<i64: 2, 16>, scalar_prefetch = 0 : i64, scratch_operands = 9 : i64, tpu.core_type = #tpu.core_type<sc_vector_subcore>, window_params = [{transform_indices = #map}, {transform_indices = #map}, {transform_indices = #map}, {transform_indices = #map}, {transform_indices = #map}]} {
    %mul3A = arith.constant 632 : i32
    %mul3A_0 = arith.muli %arg1, %mul3A : i32
    %mul3A_1 = arith.constant 632 : i32
    %mul3A_2 = arith.muli %arg1, %mul3A_1 : i32
    "tpu.region"() ({
      %run_scoped3A = tpu.sem_alloc : memref<!tpu.dma_semaphore, #tpu.memory_space<semaphore_mem>>
      %dma_start3A_58 = arith.constant 0 : i32
      %dma_start3A_59 = tpu.memref_slice %arg11[%mul3A_2, %dma_start3A_58] : memref<10112x128xf32, #tpu.memory_space<vmem_shared>> -> memref<632x128xf32, #tpu.memory_space<vmem_shared>>
      %dma_start3A_60 = arith.constant 0 : i32
      %dma_start3A_61 = tpu.memref_slice %arg5[%mul3A_0, %dma_start3A_60] : memref<10112x128xf32, #tpu.memory_space<hbm>> -> memref<632x128xf32, #tpu.memory_space<hbm>>
      tpu.enqueue_dma source(%dma_start3A_61 : memref<632x128xf32, #tpu.memory_space<hbm>>) target(%dma_start3A_59 : memref<632x128xf32, #tpu.memory_space<vmem_shared>>) target_semaphore(%run_scoped3A : memref<!tpu.dma_semaphore, #tpu.memory_space<semaphore_mem>>)
      %dma_wait3A_62 = arith.constant 0 : i32
      %dma_wait3A_63 = tpu.memref_slice %arg11[%mul3A_2, %dma_wait3A_62] : memref<10112x128xf32, #tpu.memory_space<vmem_shared>> -> memref<632x128xf32, #tpu.memory_space<vmem_shared>>
      %dma_wait3A_64 = arith.constant 0 : i32
      %dma_wait3A_65 = tpu.memref_slice %arg5[%mul3A_0, %dma_wait3A_64] : memref<10112x128xf32, #tpu.memory_space<hbm>> -> memref<632x128xf32, #tpu.memory_space<hbm>>
      tpu.wait_dma2 semaphore(%run_scoped3A : memref<!tpu.dma_semaphore, #tpu.memory_space<semaphore_mem>>) src(%dma_wait3A_65 : memref<632x128xf32, #tpu.memory_space<hbm>>) dst(%dma_wait3A_63 : memref<632x128xf32, #tpu.memory_space<vmem_shared>>)
      tpu.yield
    }) : () -> ()
    %mul3A_3 = arith.constant 16 : i32
    %mul3A_4 = arith.muli %arg0, %mul3A_3 : i32
    %add3A = arith.addi %mul3A_4, %arg1 : i32
    %barrier3A = arith.constant 0 : index
    tpu.barrier barrier_id(%barrier3A)
    %mul3A_5 = arith.constant 80 : i32
    %mul3A_6 = arith.muli %add3A, %mul3A_5 : i32
    %add3A_7 = arith.constant 0 : i32
    %add3A_8 = arith.addi %mul3A_6, %add3A_7 : i32
    "tpu.region"() ({
      %run_scoped3A = tpu.sem_alloc : memref<!tpu.dma_semaphore, #tpu.memory_space<semaphore_mem>>
      %dma_start3A_58 = arith.constant 0 : i32
      %dma_start3A_59 = tpu.memref_slice %arg3[%add3A_8, %dma_start3A_58] : memref<2560x128xi32, #tpu.memory_space<hbm>> -> memref<40x128xi32, #tpu.memory_space<hbm>>
      %dma_start3A_60 = arith.constant 0 : i32
      %dma_start3A_61 = tpu.memref_slice %arg3[%add3A_8, %dma_start3A_60] : memref<2560x128xi32, #tpu.memory_space<hbm>> -> memref<40x128xi32, #tpu.memory_space<hbm>>
      tpu.enqueue_dma source(%dma_start3A_61 : memref<40x128xi32, #tpu.memory_space<hbm>>) target(%arg7 : memref<40x128xi32, #tpu.memory_space<vmem>>) target_semaphore(%run_scoped3A : memref<!tpu.dma_semaphore, #tpu.memory_space<semaphore_mem>>)
      %dma_wait3A_62 = arith.constant 0 : i32
      %dma_wait3A_63 = tpu.memref_slice %arg3[%add3A_8, %dma_wait3A_62] : memref<2560x128xi32, #tpu.memory_space<hbm>> -> memref<40x128xi32, #tpu.memory_space<hbm>>
      %dma_wait3A_64 = arith.constant 0 : i32
      %dma_wait3A_65 = tpu.memref_slice %arg3[%add3A_8, %dma_wait3A_64] : memref<2560x128xi32, #tpu.memory_space<hbm>> -> memref<40x128xi32, #tpu.memory_space<hbm>>
      tpu.wait_dma2 semaphore(%run_scoped3A : memref<!tpu.dma_semaphore, #tpu.memory_space<semaphore_mem>>) src(%dma_wait3A_65 : memref<40x128xi32, #tpu.memory_space<hbm>>) dst(%arg7 : memref<40x128xi32, #tpu.memory_space<vmem>>)
      tpu.yield
    }) : () -> ()
    "tpu.region"() ({
      %run_scoped3A = tpu.sem_alloc : memref<!tpu.dma_semaphore, #tpu.memory_space<semaphore_mem>>
      %dma_start3A_58 = arith.constant 0 : i32
      %dma_start3A_59 = tpu.memref_slice %arg4[%add3A_8, %dma_start3A_58] : memref<2560x128xi32, #tpu.memory_space<hbm>> -> memref<40x128xi32, #tpu.memory_space<hbm>>
      %dma_start3A_60 = arith.constant 0 : i32
      %dma_start3A_61 = tpu.memref_slice %arg4[%add3A_8, %dma_start3A_60] : memref<2560x128xi32, #tpu.memory_space<hbm>> -> memref<40x128xi32, #tpu.memory_space<hbm>>
      tpu.enqueue_dma source(%dma_start3A_61 : memref<40x128xi32, #tpu.memory_space<hbm>>) target(%arg8 : memref<40x128xi32, #tpu.memory_space<vmem>>) target_semaphore(%run_scoped3A : memref<!tpu.dma_semaphore, #tpu.memory_space<semaphore_mem>>)
      %dma_wait3A_62 = arith.constant 0 : i32
      %dma_wait3A_63 = tpu.memref_slice %arg4[%add3A_8, %dma_wait3A_62] : memref<2560x128xi32, #tpu.memory_space<hbm>> -> memref<40x128xi32, #tpu.memory_space<hbm>>
      %dma_wait3A_64 = arith.constant 0 : i32
      %dma_wait3A_65 = tpu.memref_slice %arg4[%add3A_8, %dma_wait3A_64] : memref<2560x128xi32, #tpu.memory_space<hbm>> -> memref<40x128xi32, #tpu.memory_space<hbm>>
      tpu.wait_dma2 semaphore(%run_scoped3A : memref<!tpu.dma_semaphore, #tpu.memory_space<semaphore_mem>>) src(%dma_wait3A_65 : memref<40x128xi32, #tpu.memory_space<hbm>>) dst(%arg8 : memref<40x128xi32, #tpu.memory_space<vmem>>)
      tpu.yield
    }) : () -> ()
    %dma_start3A = arith.constant 0 : i32
    %dma_start3A_9 = arith.constant 0 : i32
    %dma_start3A_10 = tpu.memref_slice %arg7[%dma_start3A, %dma_start3A_9] : memref<40x128xi32, #tpu.memory_space<vmem>> -> memref<1x128xi32, #tpu.memory_space<vmem>>
    %dma_start3A_11 = tpu.memref_squeeze %dma_start3A_10 : memref<1x128xi32, #tpu.memory_space<vmem>> -> memref<128xi32, #tpu.memory_space<vmem>>
    %dma_start3A_12 = arith.constant 0 : i32
    %dma_start3A_13 = arith.constant 0 : i32
    %dma_start3A_14 = tpu.memref_slice %arg2[%dma_start3A_12, %dma_start3A_13] : memref<10000x128xf32, #tpu.memory_space<hbm>> -> memref<10000x128xf32, #tpu.memory_space<hbm>>
    tpu.enqueue_indirect_dma source(%dma_start3A_14 : memref<10000x128xf32, #tpu.memory_space<hbm>>) target(%arg9 : memref<128x128xf32, #tpu.memory_space<vmem>>) offsets(%dma_start3A_11 : memref<128xi32, #tpu.memory_space<vmem>>) semaphore(%arg12 : memref<!tpu.dma_semaphore, #tpu.memory_space<semaphore_mem>>)
    %scan3A = arith.constant 0 : i32
    %scan3A_15 = arith.constant 0 : i32
    %scan3A_16 = arith.constant 20 : i32
    %scan3A_17 = arith.addi %scan3A_15, %scan3A_16 : i32
    %scan3A_18 = arith.constant 1 : i32
    scf.for %scan3A_58 = %scan3A_15 to %scan3A_17 step %scan3A_18  : i32 {
      %mul3A_59 = arith.constant 2 : i32
      %mul3A_60 = arith.muli %mul3A_59, %scan3A_58 : i32
      %dma_wait3A_61 = arith.constant 0 : i32
      %dma_wait3A_62 = tpu.memref_slice %arg7[%mul3A_60, %dma_wait3A_61] : memref<40x128xi32, #tpu.memory_space<vmem>> -> memref<1x128xi32, #tpu.memory_space<vmem>>
      %dma_wait3A_63 = tpu.memref_squeeze %dma_wait3A_62 : memref<1x128xi32, #tpu.memory_space<vmem>> -> memref<128xi32, #tpu.memory_space<vmem>>
      %dma_wait3A_64 = arith.constant 0 : i32
      %dma_wait3A_65 = arith.constant 0 : i32
      %dma_wait3A_66 = tpu.memref_slice %arg2[%dma_wait3A_64, %dma_wait3A_65] : memref<10000x128xf32, #tpu.memory_space<hbm>> -> memref<10000x128xf32, #tpu.memory_space<hbm>>
      tpu.wait_indirect_dma semaphore(%arg12 : memref<!tpu.dma_semaphore, #tpu.memory_space<semaphore_mem>>) src(%dma_wait3A_66 : memref<10000x128xf32, #tpu.memory_space<hbm>>) dst(%arg9 : memref<128x128xf32, #tpu.memory_space<vmem>>)
      %dma_start3A_67 = arith.constant 0 : i32
      %dma_start3A_68 = tpu.memref_slice %arg8[%mul3A_60, %dma_start3A_67] : memref<40x128xi32, #tpu.memory_space<vmem>> -> memref<1x128xi32, #tpu.memory_space<vmem>>
      %dma_start3A_69 = tpu.memref_squeeze %dma_start3A_68 : memref<1x128xi32, #tpu.memory_space<vmem>> -> memref<128xi32, #tpu.memory_space<vmem>>
      %dma_start3A_70 = arith.constant 0 : i32
      %dma_start3A_71 = arith.constant 0 : i32
      %dma_start3A_72 = tpu.memref_slice %arg11[%dma_start3A_70, %dma_start3A_71] : memref<10112x128xf32, #tpu.memory_space<vmem_shared>> -> memref<10112x128xf32, #tpu.memory_space<vmem_shared>>
      tpu.enqueue_indirect_dma source(%arg9 : memref<128x128xf32, #tpu.memory_space<vmem>>) target(%dma_start3A_72 : memref<10112x128xf32, #tpu.memory_space<vmem_shared>>) offsets(%dma_start3A_69 : memref<128xi32, #tpu.memory_space<vmem>>) semaphore(%arg14 : memref<!tpu.dma_semaphore, #tpu.memory_space<semaphore_mem>>) {add = true}
      %gt3A = arith.constant 0 : i32
      %gt3A_73 = arith.cmpi sgt, %scan3A_58, %gt3A : i32
      %convert_element_type3A = arith.extui %gt3A_73 : i1 to i32
      %cond3A = arith.constant 0 : i32
      %cond3A_74 = arith.cmpi ne, %convert_element_type3A, %cond3A : i32
      scf.if %cond3A_74 {
        %sub3A = arith.constant 1 : i32
        %sub3A_109 = arith.subi %mul3A_60, %sub3A : i32
        %dma_wait3A_110 = arith.constant 0 : i32
        %dma_wait3A_111 = tpu.memref_slice %arg8[%sub3A_109, %dma_wait3A_110] : memref<40x128xi32, #tpu.memory_space<vmem>> -> memref<1x128xi32, #tpu.memory_space<vmem>>
        %dma_wait3A_112 = tpu.memref_squeeze %dma_wait3A_111 : memref<1x128xi32, #tpu.memory_space<vmem>> -> memref<128xi32, #tpu.memory_space<vmem>>
        %dma_wait3A_113 = arith.constant 0 : i32
        %dma_wait3A_114 = arith.constant 0 : i32
        %dma_wait3A_115 = tpu.memref_slice %arg11[%dma_wait3A_113, %dma_wait3A_114] : memref<10112x128xf32, #tpu.memory_space<vmem_shared>> -> memref<10112x128xf32, #tpu.memory_space<vmem_shared>>
        tpu.wait_indirect_dma semaphore(%arg15 : memref<!tpu.dma_semaphore, #tpu.memory_space<semaphore_mem>>) src(%arg10 : memref<128x128xf32, #tpu.memory_space<vmem>>) dst(%dma_wait3A_115 : memref<10112x128xf32, #tpu.memory_space<vmem_shared>>)
      } else {
      }
      %add3A_75 = arith.constant 1 : i32
      %add3A_76 = arith.addi %mul3A_60, %add3A_75 : i32
      %dma_start3A_77 = arith.constant 0 : i32
      %dma_start3A_78 = tpu.memref_slice %arg7[%add3A_76, %dma_start3A_77] : memref<40x128xi32, #tpu.memory_space<vmem>> -> memref<1x128xi32, #tpu.memory_space<vmem>>
      %dma_start3A_79 = tpu.memref_squeeze %dma_start3A_78 : memref<1x128xi32, #tpu.memory_space<vmem>> -> memref<128xi32, #tpu.memory_space<vmem>>
      %dma_start3A_80 = arith.constant 0 : i32
      %dma_start3A_81 = arith.constant 0 : i32
      %dma_start3A_82 = tpu.memref_slice %arg2[%dma_start3A_80, %dma_start3A_81] : memref<10000x128xf32, #tpu.memory_space<hbm>> -> memref<10000x128xf32, #tpu.memory_space<hbm>>
      tpu.enqueue_indirect_dma source(%dma_start3A_82 : memref<10000x128xf32, #tpu.memory_space<hbm>>) target(%arg10 : memref<128x128xf32, #tpu.memory_space<vmem>>) offsets(%dma_start3A_79 : memref<128xi32, #tpu.memory_space<vmem>>) semaphore(%arg13 : memref<!tpu.dma_semaphore, #tpu.memory_space<semaphore_mem>>)
      %add3A_83 = arith.constant 1 : i32
      %add3A_84 = arith.addi %mul3A_60, %add3A_83 : i32
      %dma_wait3A_85 = arith.constant 0 : i32
      %dma_wait3A_86 = tpu.memref_slice %arg7[%add3A_84, %dma_wait3A_85] : memref<40x128xi32, #tpu.memory_space<vmem>> -> memref<1x128xi32, #tpu.memory_space<vmem>>
      %dma_wait3A_87 = tpu.memref_squeeze %dma_wait3A_86 : memref<1x128xi32, #tpu.memory_space<vmem>> -> memref<128xi32, #tpu.memory_space<vmem>>
      %dma_wait3A_88 = arith.constant 0 : i32
      %dma_wait3A_89 = arith.constant 0 : i32
      %dma_wait3A_90 = tpu.memref_slice %arg2[%dma_wait3A_88, %dma_wait3A_89] : memref<10000x128xf32, #tpu.memory_space<hbm>> -> memref<10000x128xf32, #tpu.memory_space<hbm>>
      tpu.wait_indirect_dma semaphore(%arg13 : memref<!tpu.dma_semaphore, #tpu.memory_space<semaphore_mem>>) src(%dma_wait3A_90 : memref<10000x128xf32, #tpu.memory_space<hbm>>) dst(%arg10 : memref<128x128xf32, #tpu.memory_space<vmem>>)
      %add3A_91 = arith.constant 1 : i32
      %add3A_92 = arith.addi %mul3A_60, %add3A_91 : i32
      %dma_start3A_93 = arith.constant 0 : i32
      %dma_start3A_94 = tpu.memref_slice %arg8[%add3A_92, %dma_start3A_93] : memref<40x128xi32, #tpu.memory_space<vmem>> -> memref<1x128xi32, #tpu.memory_space<vmem>>
      %dma_start3A_95 = tpu.memref_squeeze %dma_start3A_94 : memref<1x128xi32, #tpu.memory_space<vmem>> -> memref<128xi32, #tpu.memory_space<vmem>>
      %dma_start3A_96 = arith.constant 0 : i32
      %dma_start3A_97 = arith.constant 0 : i32
      %dma_start3A_98 = tpu.memref_slice %arg11[%dma_start3A_96, %dma_start3A_97] : memref<10112x128xf32, #tpu.memory_space<vmem_shared>> -> memref<10112x128xf32, #tpu.memory_space<vmem_shared>>
      tpu.enqueue_indirect_dma source(%arg10 : memref<128x128xf32, #tpu.memory_space<vmem>>) target(%dma_start3A_98 : memref<10112x128xf32, #tpu.memory_space<vmem_shared>>) offsets(%dma_start3A_95 : memref<128xi32, #tpu.memory_space<vmem>>) semaphore(%arg15 : memref<!tpu.dma_semaphore, #tpu.memory_space<semaphore_mem>>) {add = true}
      %dma_wait3A_99 = arith.constant 0 : i32
      %dma_wait3A_100 = tpu.memref_slice %arg8[%mul3A_60, %dma_wait3A_99] : memref<40x128xi32, #tpu.memory_space<vmem>> -> memref<1x128xi32, #tpu.memory_space<vmem>>
      %dma_wait3A_101 = tpu.memref_squeeze %dma_wait3A_100 : memref<1x128xi32, #tpu.memory_space<vmem>> -> memref<128xi32, #tpu.memory_space<vmem>>
      %dma_wait3A_102 = arith.constant 0 : i32
      %dma_wait3A_103 = arith.constant 0 : i32
      %dma_wait3A_104 = tpu.memref_slice %arg11[%dma_wait3A_102, %dma_wait3A_103] : memref<10112x128xf32, #tpu.memory_space<vmem_shared>> -> memref<10112x128xf32, #tpu.memory_space<vmem_shared>>
      tpu.wait_indirect_dma semaphore(%arg14 : memref<!tpu.dma_semaphore, #tpu.memory_space<semaphore_mem>>) src(%arg9 : memref<128x128xf32, #tpu.memory_space<vmem>>) dst(%dma_wait3A_104 : memref<10112x128xf32, #tpu.memory_space<vmem_shared>>)
      %lt3A = arith.constant 19 : i32
      %lt3A_105 = arith.cmpi slt, %scan3A_58, %lt3A : i32
      %convert_element_type3A_106 = arith.extui %lt3A_105 : i1 to i32
      %cond3A_107 = arith.constant 0 : i32
      %cond3A_108 = arith.cmpi ne, %convert_element_type3A_106, %cond3A_107 : i32
      scf.if %cond3A_108 {
        %add3A_109 = arith.constant 2 : i32
        %add3A_110 = arith.addi %mul3A_60, %add3A_109 : i32
        %dma_start3A_111 = arith.constant 0 : i32
        %dma_start3A_112 = tpu.memref_slice %arg7[%add3A_110, %dma_start3A_111] : memref<40x128xi32, #tpu.memory_space<vmem>> -> memref<1x128xi32, #tpu.memory_space<vmem>>
        %dma_start3A_113 = tpu.memref_squeeze %dma_start3A_112 : memref<1x128xi32, #tpu.memory_space<vmem>> -> memref<128xi32, #tpu.memory_space<vmem>>
        %dma_start3A_114 = arith.constant 0 : i32
        %dma_start3A_115 = arith.constant 0 : i32
        %dma_start3A_116 = tpu.memref_slice %arg2[%dma_start3A_114, %dma_start3A_115] : memref<10000x128xf32, #tpu.memory_space<hbm>> -> memref<10000x128xf32, #tpu.memory_space<hbm>>
        tpu.enqueue_indirect_dma source(%dma_start3A_116 : memref<10000x128xf32, #tpu.memory_space<hbm>>) target(%arg9 : memref<128x128xf32, #tpu.memory_space<vmem>>) offsets(%dma_start3A_113 : memref<128xi32, #tpu.memory_space<vmem>>) semaphore(%arg12 : memref<!tpu.dma_semaphore, #tpu.memory_space<semaphore_mem>>)
      } else {
      }
    }
    %scan3A_19 = arith.constant 20 : i32
    %dma_wait3A = arith.constant 39 : i32
    %dma_wait3A_20 = arith.constant 0 : i32
    %dma_wait3A_21 = tpu.memref_slice %arg8[%dma_wait3A, %dma_wait3A_20] : memref<40x128xi32, #tpu.memory_space<vmem>> -> memref<1x128xi32, #tpu.memory_space<vmem>>
    %dma_wait3A_22 = tpu.memref_squeeze %dma_wait3A_21 : memref<1x128xi32, #tpu.memory_space<vmem>> -> memref<128xi32, #tpu.memory_space<vmem>>
    %dma_wait3A_23 = arith.constant 0 : i32
    %dma_wait3A_24 = arith.constant 0 : i32
    %dma_wait3A_25 = tpu.memref_slice %arg11[%dma_wait3A_23, %dma_wait3A_24] : memref<10112x128xf32, #tpu.memory_space<vmem_shared>> -> memref<10112x128xf32, #tpu.memory_space<vmem_shared>>
    tpu.wait_indirect_dma semaphore(%arg15 : memref<!tpu.dma_semaphore, #tpu.memory_space<semaphore_mem>>) src(%arg10 : memref<128x128xf32, #tpu.memory_space<vmem>>) dst(%dma_wait3A_25 : memref<10112x128xf32, #tpu.memory_space<vmem_shared>>)
    %mul3A_26 = arith.constant 80 : i32
    %mul3A_27 = arith.muli %add3A, %mul3A_26 : i32
    %add3A_28 = arith.constant 40 : i32
    %add3A_29 = arith.addi %mul3A_27, %add3A_28 : i32
    "tpu.region"() ({
      %run_scoped3A = tpu.sem_alloc : memref<!tpu.dma_semaphore, #tpu.memory_space<semaphore_mem>>
      %dma_start3A_58 = arith.constant 0 : i32
      %dma_start3A_59 = tpu.memref_slice %arg3[%add3A_29, %dma_start3A_58] : memref<2560x128xi32, #tpu.memory_space<hbm>> -> memref<40x128xi32, #tpu.memory_space<hbm>>
      %dma_start3A_60 = arith.constant 0 : i32
      %dma_start3A_61 = tpu.memref_slice %arg3[%add3A_29, %dma_start3A_60] : memref<2560x128xi32, #tpu.memory_space<hbm>> -> memref<40x128xi32, #tpu.memory_space<hbm>>
      tpu.enqueue_dma source(%dma_start3A_61 : memref<40x128xi32, #tpu.memory_space<hbm>>) target(%arg7 : memref<40x128xi32, #tpu.memory_space<vmem>>) target_semaphore(%run_scoped3A : memref<!tpu.dma_semaphore, #tpu.memory_space<semaphore_mem>>)
      %dma_wait3A_62 = arith.constant 0 : i32
      %dma_wait3A_63 = tpu.memref_slice %arg3[%add3A_29, %dma_wait3A_62] : memref<2560x128xi32, #tpu.memory_space<hbm>> -> memref<40x128xi32, #tpu.memory_space<hbm>>
      %dma_wait3A_64 = arith.constant 0 : i32
      %dma_wait3A_65 = tpu.memref_slice %arg3[%add3A_29, %dma_wait3A_64] : memref<2560x128xi32, #tpu.memory_space<hbm>> -> memref<40x128xi32, #tpu.memory_space<hbm>>
      tpu.wait_dma2 semaphore(%run_scoped3A : memref<!tpu.dma_semaphore, #tpu.memory_space<semaphore_mem>>) src(%dma_wait3A_65 : memref<40x128xi32, #tpu.memory_space<hbm>>) dst(%arg7 : memref<40x128xi32, #tpu.memory_space<vmem>>)
      tpu.yield
    }) : () -> ()
    "tpu.region"() ({
      %run_scoped3A = tpu.sem_alloc : memref<!tpu.dma_semaphore, #tpu.memory_space<semaphore_mem>>
      %dma_start3A_58 = arith.constant 0 : i32
      %dma_start3A_59 = tpu.memref_slice %arg4[%add3A_29, %dma_start3A_58] : memref<2560x128xi32, #tpu.memory_space<hbm>> -> memref<40x128xi32, #tpu.memory_space<hbm>>
      %dma_start3A_60 = arith.constant 0 : i32
      %dma_start3A_61 = tpu.memref_slice %arg4[%add3A_29, %dma_start3A_60] : memref<2560x128xi32, #tpu.memory_space<hbm>> -> memref<40x128xi32, #tpu.memory_space<hbm>>
      tpu.enqueue_dma source(%dma_start3A_61 : memref<40x128xi32, #tpu.memory_space<hbm>>) target(%arg8 : memref<40x128xi32, #tpu.memory_space<vmem>>) target_semaphore(%run_scoped3A : memref<!tpu.dma_semaphore, #tpu.memory_space<semaphore_mem>>)
      %dma_wait3A_62 = arith.constant 0 : i32
      %dma_wait3A_63 = tpu.memref_slice %arg4[%add3A_29, %dma_wait3A_62] : memref<2560x128xi32, #tpu.memory_space<hbm>> -> memref<40x128xi32, #tpu.memory_space<hbm>>
      %dma_wait3A_64 = arith.constant 0 : i32
      %dma_wait3A_65 = tpu.memref_slice %arg4[%add3A_29, %dma_wait3A_64] : memref<2560x128xi32, #tpu.memory_space<hbm>> -> memref<40x128xi32, #tpu.memory_space<hbm>>
      tpu.wait_dma2 semaphore(%run_scoped3A : memref<!tpu.dma_semaphore, #tpu.memory_space<semaphore_mem>>) src(%dma_wait3A_65 : memref<40x128xi32, #tpu.memory_space<hbm>>) dst(%arg8 : memref<40x128xi32, #tpu.memory_space<vmem>>)
      tpu.yield
    }) : () -> ()
    %dma_start3A_30 = arith.constant 0 : i32
    %dma_start3A_31 = arith.constant 0 : i32
    %dma_start3A_32 = tpu.memref_slice %arg7[%dma_start3A_30, %dma_start3A_31] : memref<40x128xi32, #tpu.memory_space<vmem>> -> memref<1x128xi32, #tpu.memory_space<vmem>>
    %dma_start3A_33 = tpu.memref_squeeze %dma_start3A_32 : memref<1x128xi32, #tpu.memory_space<vmem>> -> memref<128xi32, #tpu.memory_space<vmem>>
    %dma_start3A_34 = arith.constant 0 : i32
    %dma_start3A_35 = arith.constant 0 : i32
    %dma_start3A_36 = tpu.memref_slice %arg2[%dma_start3A_34, %dma_start3A_35] : memref<10000x128xf32, #tpu.memory_space<hbm>> -> memref<10000x128xf32, #tpu.memory_space<hbm>>
    tpu.enqueue_indirect_dma source(%dma_start3A_36 : memref<10000x128xf32, #tpu.memory_space<hbm>>) target(%arg9 : memref<128x128xf32, #tpu.memory_space<vmem>>) offsets(%dma_start3A_33 : memref<128xi32, #tpu.memory_space<vmem>>) semaphore(%arg12 : memref<!tpu.dma_semaphore, #tpu.memory_space<semaphore_mem>>)
    %scan3A_37 = arith.constant 0 : i32
    %scan3A_38 = arith.constant 0 : i32
    %scan3A_39 = arith.constant 20 : i32
    %scan3A_40 = arith.addi %scan3A_38, %scan3A_39 : i32
    %scan3A_41 = arith.constant 1 : i32
    scf.for %scan3A_58 = %scan3A_38 to %scan3A_40 step %scan3A_41  : i32 {
      %mul3A_59 = arith.constant 2 : i32
      %mul3A_60 = arith.muli %mul3A_59, %scan3A_58 : i32
      %dma_wait3A_61 = arith.constant 0 : i32
      %dma_wait3A_62 = tpu.memref_slice %arg7[%mul3A_60, %dma_wait3A_61] : memref<40x128xi32, #tpu.memory_space<vmem>> -> memref<1x128xi32, #tpu.memory_space<vmem>>
      %dma_wait3A_63 = tpu.memref_squeeze %dma_wait3A_62 : memref<1x128xi32, #tpu.memory_space<vmem>> -> memref<128xi32, #tpu.memory_space<vmem>>
      %dma_wait3A_64 = arith.constant 0 : i32
      %dma_wait3A_65 = arith.constant 0 : i32
      %dma_wait3A_66 = tpu.memref_slice %arg2[%dma_wait3A_64, %dma_wait3A_65] : memref<10000x128xf32, #tpu.memory_space<hbm>> -> memref<10000x128xf32, #tpu.memory_space<hbm>>
      tpu.wait_indirect_dma semaphore(%arg12 : memref<!tpu.dma_semaphore, #tpu.memory_space<semaphore_mem>>) src(%dma_wait3A_66 : memref<10000x128xf32, #tpu.memory_space<hbm>>) dst(%arg9 : memref<128x128xf32, #tpu.memory_space<vmem>>)
      %dma_start3A_67 = arith.constant 0 : i32
      %dma_start3A_68 = tpu.memref_slice %arg8[%mul3A_60, %dma_start3A_67] : memref<40x128xi32, #tpu.memory_space<vmem>> -> memref<1x128xi32, #tpu.memory_space<vmem>>
      %dma_start3A_69 = tpu.memref_squeeze %dma_start3A_68 : memref<1x128xi32, #tpu.memory_space<vmem>> -> memref<128xi32, #tpu.memory_space<vmem>>
      %dma_start3A_70 = arith.constant 0 : i32
      %dma_start3A_71 = arith.constant 0 : i32
      %dma_start3A_72 = tpu.memref_slice %arg11[%dma_start3A_70, %dma_start3A_71] : memref<10112x128xf32, #tpu.memory_space<vmem_shared>> -> memref<10112x128xf32, #tpu.memory_space<vmem_shared>>
      tpu.enqueue_indirect_dma source(%arg9 : memref<128x128xf32, #tpu.memory_space<vmem>>) target(%dma_start3A_72 : memref<10112x128xf32, #tpu.memory_space<vmem_shared>>) offsets(%dma_start3A_69 : memref<128xi32, #tpu.memory_space<vmem>>) semaphore(%arg14 : memref<!tpu.dma_semaphore, #tpu.memory_space<semaphore_mem>>) {add = true}
      %gt3A = arith.constant 0 : i32
      %gt3A_73 = arith.cmpi sgt, %scan3A_58, %gt3A : i32
      %convert_element_type3A = arith.extui %gt3A_73 : i1 to i32
      %cond3A = arith.constant 0 : i32
      %cond3A_74 = arith.cmpi ne, %convert_element_type3A, %cond3A : i32
      scf.if %cond3A_74 {
        %sub3A = arith.constant 1 : i32
        %sub3A_109 = arith.subi %mul3A_60, %sub3A : i32
        %dma_wait3A_110 = arith.constant 0 : i32
        %dma_wait3A_111 = tpu.memref_slice %arg8[%sub3A_109, %dma_wait3A_110] : memref<40x128xi32, #tpu.memory_space<vmem>> -> memref<1x128xi32, #tpu.memory_space<vmem>>
        %dma_wait3A_112 = tpu.memref_squeeze %dma_wait3A_111 : memref<1x128xi32, #tpu.memory_space<vmem>> -> memref<128xi32, #tpu.memory_space<vmem>>
        %dma_wait3A_113 = arith.constant 0 : i32
        %dma_wait3A_114 = arith.constant 0 : i32
        %dma_wait3A_115 = tpu.memref_slice %arg11[%dma_wait3A_113, %dma_wait3A_114] : memref<10112x128xf32, #tpu.memory_space<vmem_shared>> -> memref<10112x128xf32, #tpu.memory_space<vmem_shared>>
        tpu.wait_indirect_dma semaphore(%arg15 : memref<!tpu.dma_semaphore, #tpu.memory_space<semaphore_mem>>) src(%arg10 : memref<128x128xf32, #tpu.memory_space<vmem>>) dst(%dma_wait3A_115 : memref<10112x128xf32, #tpu.memory_space<vmem_shared>>)
      } else {
      }
      %add3A_75 = arith.constant 1 : i32
      %add3A_76 = arith.addi %mul3A_60, %add3A_75 : i32
      %dma_start3A_77 = arith.constant 0 : i32
      %dma_start3A_78 = tpu.memref_slice %arg7[%add3A_76, %dma_start3A_77] : memref<40x128xi32, #tpu.memory_space<vmem>> -> memref<1x128xi32, #tpu.memory_space<vmem>>
      %dma_start3A_79 = tpu.memref_squeeze %dma_start3A_78 : memref<1x128xi32, #tpu.memory_space<vmem>> -> memref<128xi32, #tpu.memory_space<vmem>>
      %dma_start3A_80 = arith.constant 0 : i32
      %dma_start3A_81 = arith.constant 0 : i32
      %dma_start3A_82 = tpu.memref_slice %arg2[%dma_start3A_80, %dma_start3A_81] : memref<10000x128xf32, #tpu.memory_space<hbm>> -> memref<10000x128xf32, #tpu.memory_space<hbm>>
      tpu.enqueue_indirect_dma source(%dma_start3A_82 : memref<10000x128xf32, #tpu.memory_space<hbm>>) target(%arg10 : memref<128x128xf32, #tpu.memory_space<vmem>>) offsets(%dma_start3A_79 : memref<128xi32, #tpu.memory_space<vmem>>) semaphore(%arg13 : memref<!tpu.dma_semaphore, #tpu.memory_space<semaphore_mem>>)
      %add3A_83 = arith.constant 1 : i32
      %add3A_84 = arith.addi %mul3A_60, %add3A_83 : i32
      %dma_wait3A_85 = arith.constant 0 : i32
      %dma_wait3A_86 = tpu.memref_slice %arg7[%add3A_84, %dma_wait3A_85] : memref<40x128xi32, #tpu.memory_space<vmem>> -> memref<1x128xi32, #tpu.memory_space<vmem>>
      %dma_wait3A_87 = tpu.memref_squeeze %dma_wait3A_86 : memref<1x128xi32, #tpu.memory_space<vmem>> -> memref<128xi32, #tpu.memory_space<vmem>>
      %dma_wait3A_88 = arith.constant 0 : i32
      %dma_wait3A_89 = arith.constant 0 : i32
      %dma_wait3A_90 = tpu.memref_slice %arg2[%dma_wait3A_88, %dma_wait3A_89] : memref<10000x128xf32, #tpu.memory_space<hbm>> -> memref<10000x128xf32, #tpu.memory_space<hbm>>
      tpu.wait_indirect_dma semaphore(%arg13 : memref<!tpu.dma_semaphore, #tpu.memory_space<semaphore_mem>>) src(%dma_wait3A_90 : memref<10000x128xf32, #tpu.memory_space<hbm>>) dst(%arg10 : memref<128x128xf32, #tpu.memory_space<vmem>>)
      %add3A_91 = arith.constant 1 : i32
      %add3A_92 = arith.addi %mul3A_60, %add3A_91 : i32
      %dma_start3A_93 = arith.constant 0 : i32
      %dma_start3A_94 = tpu.memref_slice %arg8[%add3A_92, %dma_start3A_93] : memref<40x128xi32, #tpu.memory_space<vmem>> -> memref<1x128xi32, #tpu.memory_space<vmem>>
      %dma_start3A_95 = tpu.memref_squeeze %dma_start3A_94 : memref<1x128xi32, #tpu.memory_space<vmem>> -> memref<128xi32, #tpu.memory_space<vmem>>
      %dma_start3A_96 = arith.constant 0 : i32
      %dma_start3A_97 = arith.constant 0 : i32
      %dma_start3A_98 = tpu.memref_slice %arg11[%dma_start3A_96, %dma_start3A_97] : memref<10112x128xf32, #tpu.memory_space<vmem_shared>> -> memref<10112x128xf32, #tpu.memory_space<vmem_shared>>
      tpu.enqueue_indirect_dma source(%arg10 : memref<128x128xf32, #tpu.memory_space<vmem>>) target(%dma_start3A_98 : memref<10112x128xf32, #tpu.memory_space<vmem_shared>>) offsets(%dma_start3A_95 : memref<128xi32, #tpu.memory_space<vmem>>) semaphore(%arg15 : memref<!tpu.dma_semaphore, #tpu.memory_space<semaphore_mem>>) {add = true}
      %dma_wait3A_99 = arith.constant 0 : i32
      %dma_wait3A_100 = tpu.memref_slice %arg8[%mul3A_60, %dma_wait3A_99] : memref<40x128xi32, #tpu.memory_space<vmem>> -> memref<1x128xi32, #tpu.memory_space<vmem>>
      %dma_wait3A_101 = tpu.memref_squeeze %dma_wait3A_100 : memref<1x128xi32, #tpu.memory_space<vmem>> -> memref<128xi32, #tpu.memory_space<vmem>>
      %dma_wait3A_102 = arith.constant 0 : i32
      %dma_wait3A_103 = arith.constant 0 : i32
      %dma_wait3A_104 = tpu.memref_slice %arg11[%dma_wait3A_102, %dma_wait3A_103] : memref<10112x128xf32, #tpu.memory_space<vmem_shared>> -> memref<10112x128xf32, #tpu.memory_space<vmem_shared>>
      tpu.wait_indirect_dma semaphore(%arg14 : memref<!tpu.dma_semaphore, #tpu.memory_space<semaphore_mem>>) src(%arg9 : memref<128x128xf32, #tpu.memory_space<vmem>>) dst(%dma_wait3A_104 : memref<10112x128xf32, #tpu.memory_space<vmem_shared>>)
      %lt3A = arith.constant 19 : i32
      %lt3A_105 = arith.cmpi slt, %scan3A_58, %lt3A : i32
      %convert_element_type3A_106 = arith.extui %lt3A_105 : i1 to i32
      %cond3A_107 = arith.constant 0 : i32
      %cond3A_108 = arith.cmpi ne, %convert_element_type3A_106, %cond3A_107 : i32
      scf.if %cond3A_108 {
        %add3A_109 = arith.constant 2 : i32
        %add3A_110 = arith.addi %mul3A_60, %add3A_109 : i32
        %dma_start3A_111 = arith.constant 0 : i32
        %dma_start3A_112 = tpu.memref_slice %arg7[%add3A_110, %dma_start3A_111] : memref<40x128xi32, #tpu.memory_space<vmem>> -> memref<1x128xi32, #tpu.memory_space<vmem>>
        %dma_start3A_113 = tpu.memref_squeeze %dma_start3A_112 : memref<1x128xi32, #tpu.memory_space<vmem>> -> memref<128xi32, #tpu.memory_space<vmem>>
        %dma_start3A_114 = arith.constant 0 : i32
        %dma_start3A_115 = arith.constant 0 : i32
        %dma_start3A_116 = tpu.memref_slice %arg2[%dma_start3A_114, %dma_start3A_115] : memref<10000x128xf32, #tpu.memory_space<hbm>> -> memref<10000x128xf32, #tpu.memory_space<hbm>>
        tpu.enqueue_indirect_dma source(%dma_start3A_116 : memref<10000x128xf32, #tpu.memory_space<hbm>>) target(%arg9 : memref<128x128xf32, #tpu.memory_space<vmem>>) offsets(%dma_start3A_113 : memref<128xi32, #tpu.memory_space<vmem>>) semaphore(%arg12 : memref<!tpu.dma_semaphore, #tpu.memory_space<semaphore_mem>>)
      } else {
      }
    }
    %scan3A_42 = arith.constant 20 : i32
    %dma_wait3A_43 = arith.constant 39 : i32
    %dma_wait3A_44 = arith.constant 0 : i32
    %dma_wait3A_45 = tpu.memref_slice %arg8[%dma_wait3A_43, %dma_wait3A_44] : memref<40x128xi32, #tpu.memory_space<vmem>> -> memref<1x128xi32, #tpu.memory_space<vmem>>
    %dma_wait3A_46 = tpu.memref_squeeze %dma_wait3A_45 : memref<1x128xi32, #tpu.memory_space<vmem>> -> memref<128xi32, #tpu.memory_space<vmem>>
    %dma_wait3A_47 = arith.constant 0 : i32
    %dma_wait3A_48 = arith.constant 0 : i32
    %dma_wait3A_49 = tpu.memref_slice %arg11[%dma_wait3A_47, %dma_wait3A_48] : memref<10112x128xf32, #tpu.memory_space<vmem_shared>> -> memref<10112x128xf32, #tpu.memory_space<vmem_shared>>
    tpu.wait_indirect_dma semaphore(%arg15 : memref<!tpu.dma_semaphore, #tpu.memory_space<semaphore_mem>>) src(%arg10 : memref<128x128xf32, #tpu.memory_space<vmem>>) dst(%dma_wait3A_49 : memref<10112x128xf32, #tpu.memory_space<vmem_shared>>)
    %barrier3A_50 = arith.constant 0 : index
    tpu.barrier barrier_id(%barrier3A_50)
    %mul3A_51 = arith.constant 632 : i32
    %mul3A_52 = arith.muli %arg1, %mul3A_51 : i32
    %mul3A_53 = arith.constant 10112 : i32
    %mul3A_54 = arith.muli %arg0, %mul3A_53 : i32
    %mul3A_55 = arith.constant 632 : i32
    %mul3A_56 = arith.muli %arg1, %mul3A_55 : i32
    %add3A_57 = arith.addi %mul3A_54, %mul3A_56 : i32
    "tpu.region"() ({
      %run_scoped3A = tpu.sem_alloc : memref<!tpu.dma_semaphore, #tpu.memory_space<semaphore_mem>>
      %dma_start3A_58 = arith.constant 0 : i32
      %dma_start3A_59 = tpu.memref_slice %arg6[%add3A_57, %dma_start3A_58] : memref<20224x128xf32, #tpu.memory_space<hbm>> -> memref<632x128xf32, #tpu.memory_space<hbm>>
      %dma_start3A_60 = arith.constant 0 : i32
      %dma_start3A_61 = tpu.memref_slice %arg11[%mul3A_52, %dma_start3A_60] : memref<10112x128xf32, #tpu.memory_space<vmem_shared>> -> memref<632x128xf32, #tpu.memory_space<vmem_shared>>
      tpu.enqueue_dma source(%dma_start3A_61 : memref<632x128xf32, #tpu.memory_space<vmem_shared>>) target(%dma_start3A_59 : memref<632x128xf32, #tpu.memory_space<hbm>>) target_semaphore(%run_scoped3A : memref<!tpu.dma_semaphore, #tpu.memory_space<semaphore_mem>>)
      %dma_wait3A_62 = arith.constant 0 : i32
      %dma_wait3A_63 = tpu.memref_slice %arg6[%add3A_57, %dma_wait3A_62] : memref<20224x128xf32, #tpu.memory_space<hbm>> -> memref<632x128xf32, #tpu.memory_space<hbm>>
      %dma_wait3A_64 = arith.constant 0 : i32
      %dma_wait3A_65 = tpu.memref_slice %arg11[%mul3A_52, %dma_wait3A_64] : memref<10112x128xf32, #tpu.memory_space<vmem_shared>> -> memref<632x128xf32, #tpu.memory_space<vmem_shared>>
      tpu.wait_dma2 semaphore(%run_scoped3A : memref<!tpu.dma_semaphore, #tpu.memory_space<semaphore_mem>>) src(%dma_wait3A_65 : memref<632x128xf32, #tpu.memory_space<vmem_shared>>) dst(%dma_wait3A_63 : memref<632x128xf32, #tpu.memory_space<hbm>>)
      tpu.yield
    }) : () -> ()
    return
  }
}

#map = affine_map<(d0, d1) -> (0, 0)>
module attributes {stable_mosaic.version = 14 : i64} {
  func.func @_scatter_kernel(%arg0: i32, %arg1: i32, %arg2: memref<10000x128xf32, #tpu.memory_space<hbm>>, %arg3: memref<2560x128xi32, #tpu.memory_space<hbm>>, %arg4: memref<2560x128xi32, #tpu.memory_space<hbm>>, %arg5: memref<10112x128xf32, #tpu.memory_space<hbm>>, %arg6: memref<20224x128xf32, #tpu.memory_space<hbm>>, %arg7: memref<40x128xi32, #tpu.memory_space<vmem>>, %arg8: memref<40x128xi32, #tpu.memory_space<vmem>>, %arg9: memref<128x128xf32, #tpu.memory_space<vmem>>, %arg10: memref<128x128xf32, #tpu.memory_space<vmem>>, %arg11: memref<10112x128xf32, #tpu.memory_space<vmem_shared>>, %arg12: memref<!tpu.dma_semaphore, #tpu.memory_space<semaphore_mem>>, %arg13: memref<!tpu.dma_semaphore, #tpu.memory_space<semaphore_mem>>, %arg14: memref<!tpu.dma_semaphore, #tpu.memory_space<semaphore_mem>>, %arg15: memref<!tpu.dma_semaphore, #tpu.memory_space<semaphore_mem>>) attributes {dimension_semantics = [#tpu.dimension_semantics<core_parallel>, #tpu.dimension_semantics<subcore_parallel>], iteration_bounds = array<i64: 2, 16>, scalar_prefetch = 0 : i64, scratch_operands = 9 : i64, tpu.core_type = #tpu.core_type<sc_vector_subcore>, window_params = [{transform_indices = #map}, {transform_indices = #map}, {transform_indices = #map}, {transform_indices = #map}, {transform_indices = #map}]} {
    %mul3A = arith.constant 632 : i32
    %mul3A_0 = arith.muli %arg1, %mul3A : i32
    %mul3A_1 = arith.constant 632 : i32
    %mul3A_2 = arith.muli %arg1, %mul3A_1 : i32
    "tpu.region"() ({
      %run_scoped3A = tpu.sem_alloc : memref<!tpu.dma_semaphore, #tpu.memory_space<semaphore_mem>>
      %dma_start3A_58 = arith.constant 0 : i32
      %dma_start3A_59 = tpu.memref_slice %arg11[%mul3A_2, %dma_start3A_58] : memref<10112x128xf32, #tpu.memory_space<vmem_shared>> -> memref<632x128xf32, #tpu.memory_space<vmem_shared>>
      %dma_start3A_60 = arith.constant 0 : i32
      %dma_start3A_61 = tpu.memref_slice %arg5[%mul3A_0, %dma_start3A_60] : memref<10112x128xf32, #tpu.memory_space<hbm>> -> memref<632x128xf32, #tpu.memory_space<hbm>>
      tpu.enqueue_dma source(%dma_start3A_61 : memref<632x128xf32, #tpu.memory_space<hbm>>) target(%dma_start3A_59 : memref<632x128xf32, #tpu.memory_space<vmem_shared>>) target_semaphore(%run_scoped3A : memref<!tpu.dma_semaphore, #tpu.memory_space<semaphore_mem>>)
      %dma_wait3A_62 = arith.constant 0 : i32
      %dma_wait3A_63 = tpu.memref_slice %arg11[%mul3A_2, %dma_wait3A_62] : memref<10112x128xf32, #tpu.memory_space<vmem_shared>> -> memref<632x128xf32, #tpu.memory_space<vmem_shared>>
      %dma_wait3A_64 = arith.constant 0 : i32
      %dma_wait3A_65 = tpu.memref_slice %arg5[%mul3A_0, %dma_wait3A_64] : memref<10112x128xf32, #tpu.memory_space<hbm>> -> memref<632x128xf32, #tpu.memory_space<hbm>>
      tpu.wait_dma2 semaphore(%run_scoped3A : memref<!tpu.dma_semaphore, #tpu.memory_space<semaphore_mem>>) src(%dma_wait3A_65 : memref<632x128xf32, #tpu.memory_space<hbm>>) dst(%dma_wait3A_63 : memref<632x128xf32, #tpu.memory_space<vmem_shared>>)
      tpu.yield
    }) : () -> ()
    %mul3A_3 = arith.constant 16 : i32
    %mul3A_4 = arith.muli %arg0, %mul3A_3 : i32
    %add3A = arith.addi %mul3A_4, %arg1 : i32
    %barrier3A = arith.constant 0 : index
    tpu.barrier barrier_id(%barrier3A)
    %mul3A_5 = arith.constant 80 : i32
    %mul3A_6 = arith.muli %add3A, %mul3A_5 : i32
    %add3A_7 = arith.constant 0 : i32
    %add3A_8 = arith.addi %mul3A_6, %add3A_7 : i32
    "tpu.region"() ({
      %run_scoped3A = tpu.sem_alloc : memref<!tpu.dma_semaphore, #tpu.memory_space<semaphore_mem>>
      %dma_start3A_58 = arith.constant 0 : i32
      %dma_start3A_59 = tpu.memref_slice %arg3[%add3A_8, %dma_start3A_58] : memref<2560x128xi32, #tpu.memory_space<hbm>> -> memref<40x128xi32, #tpu.memory_space<hbm>>
      %dma_start3A_60 = arith.constant 0 : i32
      %dma_start3A_61 = tpu.memref_slice %arg3[%add3A_8, %dma_start3A_60] : memref<2560x128xi32, #tpu.memory_space<hbm>> -> memref<40x128xi32, #tpu.memory_space<hbm>>
      tpu.enqueue_dma source(%dma_start3A_61 : memref<40x128xi32, #tpu.memory_space<hbm>>) target(%arg7 : memref<40x128xi32, #tpu.memory_space<vmem>>) target_semaphore(%run_scoped3A : memref<!tpu.dma_semaphore, #tpu.memory_space<semaphore_mem>>)
      %dma_wait3A_62 = arith.constant 0 : i32
      %dma_wait3A_63 = tpu.memref_slice %arg3[%add3A_8, %dma_wait3A_62] : memref<2560x128xi32, #tpu.memory_space<hbm>> -> memref<40x128xi32, #tpu.memory_space<hbm>>
      %dma_wait3A_64 = arith.constant 0 : i32
      %dma_wait3A_65 = tpu.memref_slice %arg3[%add3A_8, %dma_wait3A_64] : memref<2560x128xi32, #tpu.memory_space<hbm>> -> memref<40x128xi32, #tpu.memory_space<hbm>>
      tpu.wait_dma2 semaphore(%run_scoped3A : memref<!tpu.dma_semaphore, #tpu.memory_space<semaphore_mem>>) src(%dma_wait3A_65 : memref<40x128xi32, #tpu.memory_space<hbm>>) dst(%arg7 : memref<40x128xi32, #tpu.memory_space<vmem>>)
      tpu.yield
    }) : () -> ()
    "tpu.region"() ({
      %run_scoped3A = tpu.sem_alloc : memref<!tpu.dma_semaphore, #tpu.memory_space<semaphore_mem>>
      %dma_start3A_58 = arith.constant 0 : i32
      %dma_start3A_59 = tpu.memref_slice %arg4[%add3A_8, %dma_start3A_58] : memref<2560x128xi32, #tpu.memory_space<hbm>> -> memref<40x128xi32, #tpu.memory_space<hbm>>
      %dma_start3A_60 = arith.constant 0 : i32
      %dma_start3A_61 = tpu.memref_slice %arg4[%add3A_8, %dma_start3A_60] : memref<2560x128xi32, #tpu.memory_space<hbm>> -> memref<40x128xi32, #tpu.memory_space<hbm>>
      tpu.enqueue_dma source(%dma_start3A_61 : memref<40x128xi32, #tpu.memory_space<hbm>>) target(%arg8 : memref<40x128xi32, #tpu.memory_space<vmem>>) target_semaphore(%run_scoped3A : memref<!tpu.dma_semaphore, #tpu.memory_space<semaphore_mem>>)
      %dma_wait3A_62 = arith.constant 0 : i32
      %dma_wait3A_63 = tpu.memref_slice %arg4[%add3A_8, %dma_wait3A_62] : memref<2560x128xi32, #tpu.memory_space<hbm>> -> memref<40x128xi32, #tpu.memory_space<hbm>>
      %dma_wait3A_64 = arith.constant 0 : i32
      %dma_wait3A_65 = tpu.memref_slice %arg4[%add3A_8, %dma_wait3A_64] : memref<2560x128xi32, #tpu.memory_space<hbm>> -> memref<40x128xi32, #tpu.memory_space<hbm>>
      tpu.wait_dma2 semaphore(%run_scoped3A : memref<!tpu.dma_semaphore, #tpu.memory_space<semaphore_mem>>) src(%dma_wait3A_65 : memref<40x128xi32, #tpu.memory_space<hbm>>) dst(%arg8 : memref<40x128xi32, #tpu.memory_space<vmem>>)
      tpu.yield
    }) : () -> ()
    %dma_start3A = arith.constant 0 : i32
    %dma_start3A_9 = arith.constant 0 : i32
    %dma_start3A_10 = tpu.memref_slice %arg7[%dma_start3A, %dma_start3A_9] : memref<40x128xi32, #tpu.memory_space<vmem>> -> memref<1x128xi32, #tpu.memory_space<vmem>>
    %dma_start3A_11 = tpu.memref_squeeze %dma_start3A_10 : memref<1x128xi32, #tpu.memory_space<vmem>> -> memref<128xi32, #tpu.memory_space<vmem>>
    %dma_start3A_12 = arith.constant 0 : i32
    %dma_start3A_13 = arith.constant 0 : i32
    %dma_start3A_14 = tpu.memref_slice %arg2[%dma_start3A_12, %dma_start3A_13] : memref<10000x128xf32, #tpu.memory_space<hbm>> -> memref<10000x128xf32, #tpu.memory_space<hbm>>
    tpu.enqueue_indirect_dma source(%dma_start3A_14 : memref<10000x128xf32, #tpu.memory_space<hbm>>) target(%arg9 : memref<128x128xf32, #tpu.memory_space<vmem>>) offsets(%dma_start3A_11 : memref<128xi32, #tpu.memory_space<vmem>>) semaphore(%arg12 : memref<!tpu.dma_semaphore, #tpu.memory_space<semaphore_mem>>)
    %scan3A = arith.constant 0 : i32
    %scan3A_15 = arith.constant 0 : i32
    %scan3A_16 = arith.constant 20 : i32
    %scan3A_17 = arith.addi %scan3A_15, %scan3A_16 : i32
    %scan3A_18 = arith.constant 1 : i32
    scf.for %scan3A_58 = %scan3A_15 to %scan3A_17 step %scan3A_18  : i32 {
      %mul3A_59 = arith.constant 2 : i32
      %mul3A_60 = arith.muli %mul3A_59, %scan3A_58 : i32
      %dma_wait3A_61 = arith.constant 0 : i32
      %dma_wait3A_62 = tpu.memref_slice %arg7[%mul3A_60, %dma_wait3A_61] : memref<40x128xi32, #tpu.memory_space<vmem>> -> memref<1x128xi32, #tpu.memory_space<vmem>>
      %dma_wait3A_63 = tpu.memref_squeeze %dma_wait3A_62 : memref<1x128xi32, #tpu.memory_space<vmem>> -> memref<128xi32, #tpu.memory_space<vmem>>
      %dma_wait3A_64 = arith.constant 0 : i32
      %dma_wait3A_65 = arith.constant 0 : i32
      %dma_wait3A_66 = tpu.memref_slice %arg2[%dma_wait3A_64, %dma_wait3A_65] : memref<10000x128xf32, #tpu.memory_space<hbm>> -> memref<10000x128xf32, #tpu.memory_space<hbm>>
      tpu.wait_indirect_dma semaphore(%arg12 : memref<!tpu.dma_semaphore, #tpu.memory_space<semaphore_mem>>) src(%dma_wait3A_66 : memref<10000x128xf32, #tpu.memory_space<hbm>>) dst(%arg9 : memref<128x128xf32, #tpu.memory_space<vmem>>)
      %dma_start3A_67 = arith.constant 0 : i32
      %dma_start3A_68 = tpu.memref_slice %arg8[%mul3A_60, %dma_start3A_67] : memref<40x128xi32, #tpu.memory_space<vmem>> -> memref<1x128xi32, #tpu.memory_space<vmem>>
      %dma_start3A_69 = tpu.memref_squeeze %dma_start3A_68 : memref<1x128xi32, #tpu.memory_space<vmem>> -> memref<128xi32, #tpu.memory_space<vmem>>
      %dma_start3A_70 = arith.constant 0 : i32
      %dma_start3A_71 = arith.constant 0 : i32
      %dma_start3A_72 = tpu.memref_slice %arg11[%dma_start3A_70, %dma_start3A_71] : memref<10112x128xf32, #tpu.memory_space<vmem_shared>> -> memref<10112x128xf32, #tpu.memory_space<vmem_shared>>
      tpu.enqueue_indirect_dma source(%arg9 : memref<128x128xf32, #tpu.memory_space<vmem>>) target(%dma_start3A_72 : memref<10112x128xf32, #tpu.memory_space<vmem_shared>>) offsets(%dma_start3A_69 : memref<128xi32, #tpu.memory_space<vmem>>) semaphore(%arg14 : memref<!tpu.dma_semaphore, #tpu.memory_space<semaphore_mem>>) {add = true}
      %gt3A = arith.constant 0 : i32
      %gt3A_73 = arith.cmpi sgt, %scan3A_58, %gt3A : i32
      %convert_element_type3A = arith.extui %gt3A_73 : i1 to i32
      %cond3A = arith.constant 0 : i32
      %cond3A_74 = arith.cmpi ne, %convert_element_type3A, %cond3A : i32
      scf.if %cond3A_74 {
        %sub3A = arith.constant 1 : i32
        %sub3A_109 = arith.subi %mul3A_60, %sub3A : i32
        %dma_wait3A_110 = arith.constant 0 : i32
        %dma_wait3A_111 = tpu.memref_slice %arg8[%sub3A_109, %dma_wait3A_110] : memref<40x128xi32, #tpu.memory_space<vmem>> -> memref<1x128xi32, #tpu.memory_space<vmem>>
        %dma_wait3A_112 = tpu.memref_squeeze %dma_wait3A_111 : memref<1x128xi32, #tpu.memory_space<vmem>> -> memref<128xi32, #tpu.memory_space<vmem>>
        %dma_wait3A_113 = arith.constant 0 : i32
        %dma_wait3A_114 = arith.constant 0 : i32
        %dma_wait3A_115 = tpu.memref_slice %arg11[%dma_wait3A_113, %dma_wait3A_114] : memref<10112x128xf32, #tpu.memory_space<vmem_shared>> -> memref<10112x128xf32, #tpu.memory_space<vmem_shared>>
        tpu.wait_indirect_dma semaphore(%arg15 : memref<!tpu.dma_semaphore, #tpu.memory_space<semaphore_mem>>) src(%arg10 : memref<128x128xf32, #tpu.memory_space<vmem>>) dst(%dma_wait3A_115 : memref<10112x128xf32, #tpu.memory_space<vmem_shared>>)
      } else {
      }
      %add3A_75 = arith.constant 1 : i32
      %add3A_76 = arith.addi %mul3A_60, %add3A_75 : i32
      %dma_start3A_77 = arith.constant 0 : i32
      %dma_start3A_78 = tpu.memref_slice %arg7[%add3A_76, %dma_start3A_77] : memref<40x128xi32, #tpu.memory_space<vmem>> -> memref<1x128xi32, #tpu.memory_space<vmem>>
      %dma_start3A_79 = tpu.memref_squeeze %dma_start3A_78 : memref<1x128xi32, #tpu.memory_space<vmem>> -> memref<128xi32, #tpu.memory_space<vmem>>
      %dma_start3A_80 = arith.constant 0 : i32
      %dma_start3A_81 = arith.constant 0 : i32
      %dma_start3A_82 = tpu.memref_slice %arg2[%dma_start3A_80, %dma_start3A_81] : memref<10000x128xf32, #tpu.memory_space<hbm>> -> memref<10000x128xf32, #tpu.memory_space<hbm>>
      tpu.enqueue_indirect_dma source(%dma_start3A_82 : memref<10000x128xf32, #tpu.memory_space<hbm>>) target(%arg10 : memref<128x128xf32, #tpu.memory_space<vmem>>) offsets(%dma_start3A_79 : memref<128xi32, #tpu.memory_space<vmem>>) semaphore(%arg13 : memref<!tpu.dma_semaphore, #tpu.memory_space<semaphore_mem>>)
      %add3A_83 = arith.constant 1 : i32
      %add3A_84 = arith.addi %mul3A_60, %add3A_83 : i32
      %dma_wait3A_85 = arith.constant 0 : i32
      %dma_wait3A_86 = tpu.memref_slice %arg7[%add3A_84, %dma_wait3A_85] : memref<40x128xi32, #tpu.memory_space<vmem>> -> memref<1x128xi32, #tpu.memory_space<vmem>>
      %dma_wait3A_87 = tpu.memref_squeeze %dma_wait3A_86 : memref<1x128xi32, #tpu.memory_space<vmem>> -> memref<128xi32, #tpu.memory_space<vmem>>
      %dma_wait3A_88 = arith.constant 0 : i32
      %dma_wait3A_89 = arith.constant 0 : i32
      %dma_wait3A_90 = tpu.memref_slice %arg2[%dma_wait3A_88, %dma_wait3A_89] : memref<10000x128xf32, #tpu.memory_space<hbm>> -> memref<10000x128xf32, #tpu.memory_space<hbm>>
      tpu.wait_indirect_dma semaphore(%arg13 : memref<!tpu.dma_semaphore, #tpu.memory_space<semaphore_mem>>) src(%dma_wait3A_90 : memref<10000x128xf32, #tpu.memory_space<hbm>>) dst(%arg10 : memref<128x128xf32, #tpu.memory_space<vmem>>)
      %add3A_91 = arith.constant 1 : i32
      %add3A_92 = arith.addi %mul3A_60, %add3A_91 : i32
      %dma_start3A_93 = arith.constant 0 : i32
      %dma_start3A_94 = tpu.memref_slice %arg8[%add3A_92, %dma_start3A_93] : memref<40x128xi32, #tpu.memory_space<vmem>> -> memref<1x128xi32, #tpu.memory_space<vmem>>
      %dma_start3A_95 = tpu.memref_squeeze %dma_start3A_94 : memref<1x128xi32, #tpu.memory_space<vmem>> -> memref<128xi32, #tpu.memory_space<vmem>>
      %dma_start3A_96 = arith.constant 0 : i32
      %dma_start3A_97 = arith.constant 0 : i32
      %dma_start3A_98 = tpu.memref_slice %arg11[%dma_start3A_96, %dma_start3A_97] : memref<10112x128xf32, #tpu.memory_space<vmem_shared>> -> memref<10112x128xf32, #tpu.memory_space<vmem_shared>>
      tpu.enqueue_indirect_dma source(%arg10 : memref<128x128xf32, #tpu.memory_space<vmem>>) target(%dma_start3A_98 : memref<10112x128xf32, #tpu.memory_space<vmem_shared>>) offsets(%dma_start3A_95 : memref<128xi32, #tpu.memory_space<vmem>>) semaphore(%arg15 : memref<!tpu.dma_semaphore, #tpu.memory_space<semaphore_mem>>) {add = true}
      %dma_wait3A_99 = arith.constant 0 : i32
      %dma_wait3A_100 = tpu.memref_slice %arg8[%mul3A_60, %dma_wait3A_99] : memref<40x128xi32, #tpu.memory_space<vmem>> -> memref<1x128xi32, #tpu.memory_space<vmem>>
      %dma_wait3A_101 = tpu.memref_squeeze %dma_wait3A_100 : memref<1x128xi32, #tpu.memory_space<vmem>> -> memref<128xi32, #tpu.memory_space<vmem>>
      %dma_wait3A_102 = arith.constant 0 : i32
      %dma_wait3A_103 = arith.constant 0 : i32
      %dma_wait3A_104 = tpu.memref_slice %arg11[%dma_wait3A_102, %dma_wait3A_103] : memref<10112x128xf32, #tpu.memory_space<vmem_shared>> -> memref<10112x128xf32, #tpu.memory_space<vmem_shared>>
      tpu.wait_indirect_dma semaphore(%arg14 : memref<!tpu.dma_semaphore, #tpu.memory_space<semaphore_mem>>) src(%arg9 : memref<128x128xf32, #tpu.memory_space<vmem>>) dst(%dma_wait3A_104 : memref<10112x128xf32, #tpu.memory_space<vmem_shared>>)
      %lt3A = arith.constant 19 : i32
      %lt3A_105 = arith.cmpi slt, %scan3A_58, %lt3A : i32
      %convert_element_type3A_106 = arith.extui %lt3A_105 : i1 to i32
      %cond3A_107 = arith.constant 0 : i32
      %cond3A_108 = arith.cmpi ne, %convert_element_type3A_106, %cond3A_107 : i32
      scf.if %cond3A_108 {
        %add3A_109 = arith.constant 2 : i32
        %add3A_110 = arith.addi %mul3A_60, %add3A_109 : i32
        %dma_start3A_111 = arith.constant 0 : i32
        %dma_start3A_112 = tpu.memref_slice %arg7[%add3A_110, %dma_start3A_111] : memref<40x128xi32, #tpu.memory_space<vmem>> -> memref<1x128xi32, #tpu.memory_space<vmem>>
        %dma_start3A_113 = tpu.memref_squeeze %dma_start3A_112 : memref<1x128xi32, #tpu.memory_space<vmem>> -> memref<128xi32, #tpu.memory_space<vmem>>
        %dma_start3A_114 = arith.constant 0 : i32
        %dma_start3A_115 = arith.constant 0 : i32
        %dma_start3A_116 = tpu.memref_slice %arg2[%dma_start3A_114, %dma_start3A_115] : memref<10000x128xf32, #tpu.memory_space<hbm>> -> memref<10000x128xf32, #tpu.memory_space<hbm>>
        tpu.enqueue_indirect_dma source(%dma_start3A_116 : memref<10000x128xf32, #tpu.memory_space<hbm>>) target(%arg9 : memref<128x128xf32, #tpu.memory_space<vmem>>) offsets(%dma_start3A_113 : memref<128xi32, #tpu.memory_space<vmem>>) semaphore(%arg12 : memref<!tpu.dma_semaphore, #tpu.memory_space<semaphore_mem>>)
      } else {
      }
    }
    %scan3A_19 = arith.constant 20 : i32
    %dma_wait3A = arith.constant 39 : i32
    %dma_wait3A_20 = arith.constant 0 : i32
    %dma_wait3A_21 = tpu.memref_slice %arg8[%dma_wait3A, %dma_wait3A_20] : memref<40x128xi32, #tpu.memory_space<vmem>> -> memref<1x128xi32, #tpu.memory_space<vmem>>
    %dma_wait3A_22 = tpu.memref_squeeze %dma_wait3A_21 : memref<1x128xi32, #tpu.memory_space<vmem>> -> memref<128xi32, #tpu.memory_space<vmem>>
    %dma_wait3A_23 = arith.constant 0 : i32
    %dma_wait3A_24 = arith.constant 0 : i32
    %dma_wait3A_25 = tpu.memref_slice %arg11[%dma_wait3A_23, %dma_wait3A_24] : memref<10112x128xf32, #tpu.memory_space<vmem_shared>> -> memref<10112x128xf32, #tpu.memory_space<vmem_shared>>
    tpu.wait_indirect_dma semaphore(%arg15 : memref<!tpu.dma_semaphore, #tpu.memory_space<semaphore_mem>>) src(%arg10 : memref<128x128xf32, #tpu.memory_space<vmem>>) dst(%dma_wait3A_25 : memref<10112x128xf32, #tpu.memory_space<vmem_shared>>)
    %mul3A_26 = arith.constant 80 : i32
    %mul3A_27 = arith.muli %add3A, %mul3A_26 : i32
    %add3A_28 = arith.constant 40 : i32
    %add3A_29 = arith.addi %mul3A_27, %add3A_28 : i32
    "tpu.region"() ({
      %run_scoped3A = tpu.sem_alloc : memref<!tpu.dma_semaphore, #tpu.memory_space<semaphore_mem>>
      %dma_start3A_58 = arith.constant 0 : i32
      %dma_start3A_59 = tpu.memref_slice %arg3[%add3A_29, %dma_start3A_58] : memref<2560x128xi32, #tpu.memory_space<hbm>> -> memref<40x128xi32, #tpu.memory_space<hbm>>
      %dma_start3A_60 = arith.constant 0 : i32
      %dma_start3A_61 = tpu.memref_slice %arg3[%add3A_29, %dma_start3A_60] : memref<2560x128xi32, #tpu.memory_space<hbm>> -> memref<40x128xi32, #tpu.memory_space<hbm>>
      tpu.enqueue_dma source(%dma_start3A_61 : memref<40x128xi32, #tpu.memory_space<hbm>>) target(%arg7 : memref<40x128xi32, #tpu.memory_space<vmem>>) target_semaphore(%run_scoped3A : memref<!tpu.dma_semaphore, #tpu.memory_space<semaphore_mem>>)
      %dma_wait3A_62 = arith.constant 0 : i32
      %dma_wait3A_63 = tpu.memref_slice %arg3[%add3A_29, %dma_wait3A_62] : memref<2560x128xi32, #tpu.memory_space<hbm>> -> memref<40x128xi32, #tpu.memory_space<hbm>>
      %dma_wait3A_64 = arith.constant 0 : i32
      %dma_wait3A_65 = tpu.memref_slice %arg3[%add3A_29, %dma_wait3A_64] : memref<2560x128xi32, #tpu.memory_space<hbm>> -> memref<40x128xi32, #tpu.memory_space<hbm>>
      tpu.wait_dma2 semaphore(%run_scoped3A : memref<!tpu.dma_semaphore, #tpu.memory_space<semaphore_mem>>) src(%dma_wait3A_65 : memref<40x128xi32, #tpu.memory_space<hbm>>) dst(%arg7 : memref<40x128xi32, #tpu.memory_space<vmem>>)
      tpu.yield
    }) : () -> ()
    "tpu.region"() ({
      %run_scoped3A = tpu.sem_alloc : memref<!tpu.dma_semaphore, #tpu.memory_space<semaphore_mem>>
      %dma_start3A_58 = arith.constant 0 : i32
      %dma_start3A_59 = tpu.memref_slice %arg4[%add3A_29, %dma_start3A_58] : memref<2560x128xi32, #tpu.memory_space<hbm>> -> memref<40x128xi32, #tpu.memory_space<hbm>>
      %dma_start3A_60 = arith.constant 0 : i32
      %dma_start3A_61 = tpu.memref_slice %arg4[%add3A_29, %dma_start3A_60] : memref<2560x128xi32, #tpu.memory_space<hbm>> -> memref<40x128xi32, #tpu.memory_space<hbm>>
      tpu.enqueue_dma source(%dma_start3A_61 : memref<40x128xi32, #tpu.memory_space<hbm>>) target(%arg8 : memref<40x128xi32, #tpu.memory_space<vmem>>) target_semaphore(%run_scoped3A : memref<!tpu.dma_semaphore, #tpu.memory_space<semaphore_mem>>)
      %dma_wait3A_62 = arith.constant 0 : i32
      %dma_wait3A_63 = tpu.memref_slice %arg4[%add3A_29, %dma_wait3A_62] : memref<2560x128xi32, #tpu.memory_space<hbm>> -> memref<40x128xi32, #tpu.memory_space<hbm>>
      %dma_wait3A_64 = arith.constant 0 : i32
      %dma_wait3A_65 = tpu.memref_slice %arg4[%add3A_29, %dma_wait3A_64] : memref<2560x128xi32, #tpu.memory_space<hbm>> -> memref<40x128xi32, #tpu.memory_space<hbm>>
      tpu.wait_dma2 semaphore(%run_scoped3A : memref<!tpu.dma_semaphore, #tpu.memory_space<semaphore_mem>>) src(%dma_wait3A_65 : memref<40x128xi32, #tpu.memory_space<hbm>>) dst(%arg8 : memref<40x128xi32, #tpu.memory_space<vmem>>)
      tpu.yield
    }) : () -> ()
    %dma_start3A_30 = arith.constant 0 : i32
    %dma_start3A_31 = arith.constant 0 : i32
    %dma_start3A_32 = tpu.memref_slice %arg7[%dma_start3A_30, %dma_start3A_31] : memref<40x128xi32, #tpu.memory_space<vmem>> -> memref<1x128xi32, #tpu.memory_space<vmem>>
    %dma_start3A_33 = tpu.memref_squeeze %dma_start3A_32 : memref<1x128xi32, #tpu.memory_space<vmem>> -> memref<128xi32, #tpu.memory_space<vmem>>
    %dma_start3A_34 = arith.constant 0 : i32
    %dma_start3A_35 = arith.constant 0 : i32
    %dma_start3A_36 = tpu.memref_slice %arg2[%dma_start3A_34, %dma_start3A_35] : memref<10000x128xf32, #tpu.memory_space<hbm>> -> memref<10000x128xf32, #tpu.memory_space<hbm>>
    tpu.enqueue_indirect_dma source(%dma_start3A_36 : memref<10000x128xf32, #tpu.memory_space<hbm>>) target(%arg9 : memref<128x128xf32, #tpu.memory_space<vmem>>) offsets(%dma_start3A_33 : memref<128xi32, #tpu.memory_space<vmem>>) semaphore(%arg12 : memref<!tpu.dma_semaphore, #tpu.memory_space<semaphore_mem>>)
    %scan3A_37 = arith.constant 0 : i32
    %scan3A_38 = arith.constant 0 : i32
    %scan3A_39 = arith.constant 20 : i32
    %scan3A_40 = arith.addi %scan3A_38, %scan3A_39 : i32
    %scan3A_41 = arith.constant 1 : i32
    scf.for %scan3A_58 = %scan3A_38 to %scan3A_40 step %scan3A_41  : i32 {
      %mul3A_59 = arith.constant 2 : i32
      %mul3A_60 = arith.muli %mul3A_59, %scan3A_58 : i32
      %dma_wait3A_61 = arith.constant 0 : i32
      %dma_wait3A_62 = tpu.memref_slice %arg7[%mul3A_60, %dma_wait3A_61] : memref<40x128xi32, #tpu.memory_space<vmem>> -> memref<1x128xi32, #tpu.memory_space<vmem>>
      %dma_wait3A_63 = tpu.memref_squeeze %dma_wait3A_62 : memref<1x128xi32, #tpu.memory_space<vmem>> -> memref<128xi32, #tpu.memory_space<vmem>>
      %dma_wait3A_64 = arith.constant 0 : i32
      %dma_wait3A_65 = arith.constant 0 : i32
      %dma_wait3A_66 = tpu.memref_slice %arg2[%dma_wait3A_64, %dma_wait3A_65] : memref<10000x128xf32, #tpu.memory_space<hbm>> -> memref<10000x128xf32, #tpu.memory_space<hbm>>
      tpu.wait_indirect_dma semaphore(%arg12 : memref<!tpu.dma_semaphore, #tpu.memory_space<semaphore_mem>>) src(%dma_wait3A_66 : memref<10000x128xf32, #tpu.memory_space<hbm>>) dst(%arg9 : memref<128x128xf32, #tpu.memory_space<vmem>>)
      %dma_start3A_67 = arith.constant 0 : i32
      %dma_start3A_68 = tpu.memref_slice %arg8[%mul3A_60, %dma_start3A_67] : memref<40x128xi32, #tpu.memory_space<vmem>> -> memref<1x128xi32, #tpu.memory_space<vmem>>
      %dma_start3A_69 = tpu.memref_squeeze %dma_start3A_68 : memref<1x128xi32, #tpu.memory_space<vmem>> -> memref<128xi32, #tpu.memory_space<vmem>>
      %dma_start3A_70 = arith.constant 0 : i32
      %dma_start3A_71 = arith.constant 0 : i32
      %dma_start3A_72 = tpu.memref_slice %arg11[%dma_start3A_70, %dma_start3A_71] : memref<10112x128xf32, #tpu.memory_space<vmem_shared>> -> memref<10112x128xf32, #tpu.memory_space<vmem_shared>>
      tpu.enqueue_indirect_dma source(%arg9 : memref<128x128xf32, #tpu.memory_space<vmem>>) target(%dma_start3A_72 : memref<10112x128xf32, #tpu.memory_space<vmem_shared>>) offsets(%dma_start3A_69 : memref<128xi32, #tpu.memory_space<vmem>>) semaphore(%arg14 : memref<!tpu.dma_semaphore, #tpu.memory_space<semaphore_mem>>) {add = true}
      %gt3A = arith.constant 0 : i32
      %gt3A_73 = arith.cmpi sgt, %scan3A_58, %gt3A : i32
      %convert_element_type3A = arith.extui %gt3A_73 : i1 to i32
      %cond3A = arith.constant 0 : i32
      %cond3A_74 = arith.cmpi ne, %convert_element_type3A, %cond3A : i32
      scf.if %cond3A_74 {
        %sub3A = arith.constant 1 : i32
        %sub3A_109 = arith.subi %mul3A_60, %sub3A : i32
        %dma_wait3A_110 = arith.constant 0 : i32
        %dma_wait3A_111 = tpu.memref_slice %arg8[%sub3A_109, %dma_wait3A_110] : memref<40x128xi32, #tpu.memory_space<vmem>> -> memref<1x128xi32, #tpu.memory_space<vmem>>
        %dma_wait3A_112 = tpu.memref_squeeze %dma_wait3A_111 : memref<1x128xi32, #tpu.memory_space<vmem>> -> memref<128xi32, #tpu.memory_space<vmem>>
        %dma_wait3A_113 = arith.constant 0 : i32
        %dma_wait3A_114 = arith.constant 0 : i32
        %dma_wait3A_115 = tpu.memref_slice %arg11[%dma_wait3A_113, %dma_wait3A_114] : memref<10112x128xf32, #tpu.memory_space<vmem_shared>> -> memref<10112x128xf32, #tpu.memory_space<vmem_shared>>
        tpu.wait_indirect_dma semaphore(%arg15 : memref<!tpu.dma_semaphore, #tpu.memory_space<semaphore_mem>>) src(%arg10 : memref<128x128xf32, #tpu.memory_space<vmem>>) dst(%dma_wait3A_115 : memref<10112x128xf32, #tpu.memory_space<vmem_shared>>)
      } else {
      }
      %add3A_75 = arith.constant 1 : i32
      %add3A_76 = arith.addi %mul3A_60, %add3A_75 : i32
      %dma_start3A_77 = arith.constant 0 : i32
      %dma_start3A_78 = tpu.memref_slice %arg7[%add3A_76, %dma_start3A_77] : memref<40x128xi32, #tpu.memory_space<vmem>> -> memref<1x128xi32, #tpu.memory_space<vmem>>
      %dma_start3A_79 = tpu.memref_squeeze %dma_start3A_78 : memref<1x128xi32, #tpu.memory_space<vmem>> -> memref<128xi32, #tpu.memory_space<vmem>>
      %dma_start3A_80 = arith.constant 0 : i32
      %dma_start3A_81 = arith.constant 0 : i32
      %dma_start3A_82 = tpu.memref_slice %arg2[%dma_start3A_80, %dma_start3A_81] : memref<10000x128xf32, #tpu.memory_space<hbm>> -> memref<10000x128xf32, #tpu.memory_space<hbm>>
      tpu.enqueue_indirect_dma source(%dma_start3A_82 : memref<10000x128xf32, #tpu.memory_space<hbm>>) target(%arg10 : memref<128x128xf32, #tpu.memory_space<vmem>>) offsets(%dma_start3A_79 : memref<128xi32, #tpu.memory_space<vmem>>) semaphore(%arg13 : memref<!tpu.dma_semaphore, #tpu.memory_space<semaphore_mem>>)
      %add3A_83 = arith.constant 1 : i32
      %add3A_84 = arith.addi %mul3A_60, %add3A_83 : i32
      %dma_wait3A_85 = arith.constant 0 : i32
      %dma_wait3A_86 = tpu.memref_slice %arg7[%add3A_84, %dma_wait3A_85] : memref<40x128xi32, #tpu.memory_space<vmem>> -> memref<1x128xi32, #tpu.memory_space<vmem>>
      %dma_wait3A_87 = tpu.memref_squeeze %dma_wait3A_86 : memref<1x128xi32, #tpu.memory_space<vmem>> -> memref<128xi32, #tpu.memory_space<vmem>>
      %dma_wait3A_88 = arith.constant 0 : i32
      %dma_wait3A_89 = arith.constant 0 : i32
      %dma_wait3A_90 = tpu.memref_slice %arg2[%dma_wait3A_88, %dma_wait3A_89] : memref<10000x128xf32, #tpu.memory_space<hbm>> -> memref<10000x128xf32, #tpu.memory_space<hbm>>
      tpu.wait_indirect_dma semaphore(%arg13 : memref<!tpu.dma_semaphore, #tpu.memory_space<semaphore_mem>>) src(%dma_wait3A_90 : memref<10000x128xf32, #tpu.memory_space<hbm>>) dst(%arg10 : memref<128x128xf32, #tpu.memory_space<vmem>>)
      %add3A_91 = arith.constant 1 : i32
      %add3A_92 = arith.addi %mul3A_60, %add3A_91 : i32
      %dma_start3A_93 = arith.constant 0 : i32
      %dma_start3A_94 = tpu.memref_slice %arg8[%add3A_92, %dma_start3A_93] : memref<40x128xi32, #tpu.memory_space<vmem>> -> memref<1x128xi32, #tpu.memory_space<vmem>>
      %dma_start3A_95 = tpu.memref_squeeze %dma_start3A_94 : memref<1x128xi32, #tpu.memory_space<vmem>> -> memref<128xi32, #tpu.memory_space<vmem>>
      %dma_start3A_96 = arith.constant 0 : i32
      %dma_start3A_97 = arith.constant 0 : i32
      %dma_start3A_98 = tpu.memref_slice %arg11[%dma_start3A_96, %dma_start3A_97] : memref<10112x128xf32, #tpu.memory_space<vmem_shared>> -> memref<10112x128xf32, #tpu.memory_space<vmem_shared>>
      tpu.enqueue_indirect_dma source(%arg10 : memref<128x128xf32, #tpu.memory_space<vmem>>) target(%dma_start3A_98 : memref<10112x128xf32, #tpu.memory_space<vmem_shared>>) offsets(%dma_start3A_95 : memref<128xi32, #tpu.memory_space<vmem>>) semaphore(%arg15 : memref<!tpu.dma_semaphore, #tpu.memory_space<semaphore_mem>>) {add = true}
      %dma_wait3A_99 = arith.constant 0 : i32
      %dma_wait3A_100 = tpu.memref_slice %arg8[%mul3A_60, %dma_wait3A_99] : memref<40x128xi32, #tpu.memory_space<vmem>> -> memref<1x128xi32, #tpu.memory_space<vmem>>
      %dma_wait3A_101 = tpu.memref_squeeze %dma_wait3A_100 : memref<1x128xi32, #tpu.memory_space<vmem>> -> memref<128xi32, #tpu.memory_space<vmem>>
      %dma_wait3A_102 = arith.constant 0 : i32
      %dma_wait3A_103 = arith.constant 0 : i32
      %dma_wait3A_104 = tpu.memref_slice %arg11[%dma_wait3A_102, %dma_wait3A_103] : memref<10112x128xf32, #tpu.memory_space<vmem_shared>> -> memref<10112x128xf32, #tpu.memory_space<vmem_shared>>
      tpu.wait_indirect_dma semaphore(%arg14 : memref<!tpu.dma_semaphore, #tpu.memory_space<semaphore_mem>>) src(%arg9 : memref<128x128xf32, #tpu.memory_space<vmem>>) dst(%dma_wait3A_104 : memref<10112x128xf32, #tpu.memory_space<vmem_shared>>)
      %lt3A = arith.constant 19 : i32
      %lt3A_105 = arith.cmpi slt, %scan3A_58, %lt3A : i32
      %convert_element_type3A_106 = arith.extui %lt3A_105 : i1 to i32
      %cond3A_107 = arith.constant 0 : i32
      %cond3A_108 = arith.cmpi ne, %convert_element_type3A_106, %cond3A_107 : i32
      scf.if %cond3A_108 {
        %add3A_109 = arith.constant 2 : i32
        %add3A_110 = arith.addi %mul3A_60, %add3A_109 : i32
        %dma_start3A_111 = arith.constant 0 : i32
        %dma_start3A_112 = tpu.memref_slice %arg7[%add3A_110, %dma_start3A_111] : memref<40x128xi32, #tpu.memory_space<vmem>> -> memref<1x128xi32, #tpu.memory_space<vmem>>
        %dma_start3A_113 = tpu.memref_squeeze %dma_start3A_112 : memref<1x128xi32, #tpu.memory_space<vmem>> -> memref<128xi32, #tpu.memory_space<vmem>>
        %dma_start3A_114 = arith.constant 0 : i32
        %dma_start3A_115 = arith.constant 0 : i32
        %dma_start3A_116 = tpu.memref_slice %arg2[%dma_start3A_114, %dma_start3A_115] : memref<10000x128xf32, #tpu.memory_space<hbm>> -> memref<10000x128xf32, #tpu.memory_space<hbm>>
        tpu.enqueue_indirect_dma source(%dma_start3A_116 : memref<10000x128xf32, #tpu.memory_space<hbm>>) target(%arg9 : memref<128x128xf32, #tpu.memory_space<vmem>>) offsets(%dma_start3A_113 : memref<128xi32, #tpu.memory_space<vmem>>) semaphore(%arg12 : memref<!tpu.dma_semaphore, #tpu.memory_space<semaphore_mem>>)
      } else {
      }
    }
    %scan3A_42 = arith.constant 20 : i32
    %dma_wait3A_43 = arith.constant 39 : i32
    %dma_wait3A_44 = arith.constant 0 : i32
    %dma_wait3A_45 = tpu.memref_slice %arg8[%dma_wait3A_43, %dma_wait3A_44] : memref<40x128xi32, #tpu.memory_space<vmem>> -> memref<1x128xi32, #tpu.memory_space<vmem>>
    %dma_wait3A_46 = tpu.memref_squeeze %dma_wait3A_45 : memref<1x128xi32, #tpu.memory_space<vmem>> -> memref<128xi32, #tpu.memory_space<vmem>>
    %dma_wait3A_47 = arith.constant 0 : i32
    %dma_wait3A_48 = arith.constant 0 : i32
    %dma_wait3A_49 = tpu.memref_slice %arg11[%dma_wait3A_47, %dma_wait3A_48] : memref<10112x128xf32, #tpu.memory_space<vmem_shared>> -> memref<10112x128xf32, #tpu.memory_space<vmem_shared>>
    tpu.wait_indirect_dma semaphore(%arg15 : memref<!tpu.dma_semaphore, #tpu.memory_space<semaphore_mem>>) src(%arg10 : memref<128x128xf32, #tpu.memory_space<vmem>>) dst(%dma_wait3A_49 : memref<10112x128xf32, #tpu.memory_space<vmem_shared>>)
    %barrier3A_50 = arith.constant 0 : index
    tpu.barrier barrier_id(%barrier3A_50)
    %mul3A_51 = arith.constant 632 : i32
    %mul3A_52 = arith.muli %arg1, %mul3A_51 : i32
    %mul3A_53 = arith.constant 10112 : i32
    %mul3A_54 = arith.muli %arg0, %mul3A_53 : i32
    %mul3A_55 = arith.constant 632 : i32
    %mul3A_56 = arith.muli %arg1, %mul3A_55 : i32
    %add3A_57 = arith.addi %mul3A_54, %mul3A_56 : i32
    "tpu.region"() ({
      %run_scoped3A = tpu.sem_alloc : memref<!tpu.dma_semaphore, #tpu.memory_space<semaphore_mem>>
      %dma_start3A_58 = arith.constant 0 : i32
      %dma_start3A_59 = tpu.memref_slice %arg6[%add3A_57, %dma_start3A_58] : memref<20224x128xf32, #tpu.memory_space<hbm>> -> memref<632x128xf32, #tpu.memory_space<hbm>>
      %dma_start3A_60 = arith.constant 0 : i32
      %dma_start3A_61 = tpu.memref_slice %arg11[%mul3A_52, %dma_start3A_60] : memref<10112x128xf32, #tpu.memory_space<vmem_shared>> -> memref<632x128xf32, #tpu.memory_space<vmem_shared>>
      tpu.enqueue_dma source(%dma_start3A_61 : memref<632x128xf32, #tpu.memory_space<vmem_shared>>) target(%dma_start3A_59 : memref<632x128xf32, #tpu.memory_space<hbm>>) target_semaphore(%run_scoped3A : memref<!tpu.dma_semaphore, #tpu.memory_space<semaphore_mem>>)
      %dma_wait3A_62 = arith.constant 0 : i32
      %dma_wait3A_63 = tpu.memref_slice %arg6[%add3A_57, %dma_wait3A_62] : memref<20224x128xf32, #tpu.memory_space<hbm>> -> memref<632x128xf32, #tpu.memory_space<hbm>>
      %dma_wait3A_64 = arith.constant 0 : i32
      %dma_wait3A_65 = tpu.memref_slice %arg11[%mul3A_52, %dma_wait3A_64] : memref<10112x128xf32, #tpu.memory_space<vmem_shared>> -> memref<632x128xf32, #tpu.memory_space<vmem_shared>>
      tpu.wait_dma2 semaphore(%run_scoped3A : memref<!tpu.dma_semaphore, #tpu.memory_space<semaphore_mem>>) src(%dma_wait3A_65 : memref<632x128xf32, #tpu.memory_space<vmem_shared>>) dst(%dma_wait3A_63 : memref<632x128xf32, #tpu.memory_space<hbm>>)
      tpu.yield
    }) : () -> ()
    return
  }
}

module attributes {stable_mosaic.version = 14 : i64} {
  func.func @_tc1a_body(%arg0: memref<10000x128xf32, #tpu.memory_space<vmem>>, %arg1: memref<128x128xf32, #tpu.memory_space<vmem>>, %arg2: memref<1x128xf32, #tpu.memory_space<vmem>>, %arg3: memref<1x128xf32, #tpu.memory_space<vmem>>, %arg4: memref<1x128xf32, #tpu.memory_space<vmem>>, %arg5: memref<10000x128xf32, #tpu.memory_space<vmem>>) attributes {dimension_semantics = [], scalar_prefetch = 0 : i64, scratch_operands = 0 : i64, tpu.core_type = #tpu.core_type<tc>} {
    %get3A = arith.constant 0 : index
    %get3A_0 = arith.constant 0 : index
    %get3A_1 = vector.load %arg0[%get3A, %get3A_0] : memref<10000x128xf32, #tpu.memory_space<vmem>>, vector<10000x128xf32>
    %get3A_2 = arith.constant 0 : index
    %get3A_3 = arith.constant 0 : index
    %get3A_4 = vector.load %arg1[%get3A_2, %get3A_3] : memref<128x128xf32, #tpu.memory_space<vmem>>, vector<128x128xf32>
    %dot_general3A = arith.constant dense<0.000000e+00> : vector<10000x128xf32>
    %dot_general3A_5 = tpu.matmul %get3A_1, %get3A_4, %dot_general3A {dimension_numbers = #tpu.dot_dimension_numbers<[1], [0], [0], [1], [0, 0, 1, 1], [], []>, transpose_lhs_hint = false} : vector<10000x128xf32>, vector<128x128xf32>, vector<10000x128xf32> -> vector<10000x128xf32>
    %get3A_6 = arith.constant 0 : index
    %get3A_7 = arith.constant 0 : index
    %get3A_8 = vector.load %arg2[%get3A_6, %get3A_7] : memref<1x128xf32, #tpu.memory_space<vmem>>, vector<1x128xf32>
    %add3A = vector.broadcast %get3A_8 : vector<1x128xf32> to vector<10000x128xf32>
    %add3A_9 = arith.addf %dot_general3A_5, %add3A : vector<10000x128xf32>
    %reduce_sum3A = arith.constant dense<0.000000e+00> : vector<128xf32>
    %reduce_sum3A_10 = vector.multi_reduction <add>, %add3A_9, %reduce_sum3A [0] : vector<10000x128xf32> to vector<128xf32>
    %broadcast_in_dim3A = vector.shape_cast %reduce_sum3A_10 : vector<128xf32> to vector<1x128xf32>
    %div3A = arith.constant 1.000000e+04 : f32
    %div3A_11 = vector.broadcast %div3A : f32 to vector<1x128xf32>
    %div3A_12 = arith.divf %broadcast_in_dim3A, %div3A_11 : vector<1x128xf32>
    %sub3A = vector.broadcast %div3A_12 : vector<1x128xf32> to vector<10000x128xf32>
    %sub3A_13 = arith.subf %add3A_9, %sub3A : vector<10000x128xf32>
    %mul3A = arith.mulf %sub3A_13, %sub3A_13 : vector<10000x128xf32>
    %reduce_sum3A_14 = arith.constant dense<0.000000e+00> : vector<128xf32>
    %reduce_sum3A_15 = vector.multi_reduction <add>, %mul3A, %reduce_sum3A_14 [0] : vector<10000x128xf32> to vector<128xf32>
    %broadcast_in_dim3A_16 = vector.shape_cast %reduce_sum3A_15 : vector<128xf32> to vector<1x128xf32>
    %div3A_17 = arith.constant 1.000000e+04 : f32
    %div3A_18 = vector.broadcast %div3A_17 : f32 to vector<1x128xf32>
    %div3A_19 = arith.divf %broadcast_in_dim3A_16, %div3A_18 : vector<1x128xf32>
    %get3A_20 = arith.constant 0 : index
    %get3A_21 = arith.constant 0 : index
    %get3A_22 = vector.load %arg3[%get3A_20, %get3A_21] : memref<1x128xf32, #tpu.memory_space<vmem>>, vector<1x128xf32>
    %mul3A_23 = vector.broadcast %get3A_22 : vector<1x128xf32> to vector<10000x128xf32>
    %mul3A_24 = arith.mulf %mul3A_23, %sub3A_13 : vector<10000x128xf32>
    %add3A_25 = arith.constant 9.99999974E-6 : f32
    %add3A_26 = vector.broadcast %add3A_25 : f32 to vector<1x128xf32>
    %add3A_27 = arith.addf %div3A_19, %add3A_26 : vector<1x128xf32>
    %rsqrt3A = math.rsqrt %add3A_27 : vector<1x128xf32>
    %mul3A_28 = vector.broadcast %rsqrt3A : vector<1x128xf32> to vector<10000x128xf32>
    %mul3A_29 = arith.mulf %mul3A_24, %mul3A_28 : vector<10000x128xf32>
    %get3A_30 = arith.constant 0 : index
    %get3A_31 = arith.constant 0 : index
    %get3A_32 = vector.load %arg4[%get3A_30, %get3A_31] : memref<1x128xf32, #tpu.memory_space<vmem>>, vector<1x128xf32>
    %add3A_33 = vector.broadcast %get3A_32 : vector<1x128xf32> to vector<10000x128xf32>
    %add3A_34 = arith.addf %mul3A_29, %add3A_33 : vector<10000x128xf32>
    %max3A = arith.constant 0.000000e+00 : f32
    %max3A_35 = vector.broadcast %max3A : f32 to vector<10000x128xf32>
    %max3A_36 = arith.maximumf %add3A_34, %max3A_35 : vector<10000x128xf32>
    %swap3A = arith.constant 0 : index
    %swap3A_37 = arith.constant 0 : index
    %swap3A_38 = vector.load %arg5[%swap3A, %swap3A_37] : memref<10000x128xf32, #tpu.memory_space<vmem>>, vector<10000x128xf32>
    tpu.vector_store %arg5[%swap3A, %swap3A_37], %max3A_36 {strides = array<i32>} : memref<10000x128xf32, #tpu.memory_space<vmem>>, vector<10000x128xf32>,
    return
  }
}

module attributes {stable_mosaic.version = 14 : i64} {
  func.func @_tc1b_body(%arg0: memref<10000x128xf32, #tpu.memory_space<vmem>>, %arg1: memref<128x128xf32, #tpu.memory_space<vmem>>, %arg2: memref<524288xf32, #tpu.memory_space<vmem>>, %arg3: memref<10000x128xf32, #tpu.memory_space<vmem>>, %arg4: memref<10000x1xf32, #tpu.memory_space<vmem>>) attributes {dimension_semantics = [], scalar_prefetch = 0 : i64, scratch_operands = 0 : i64, tpu.core_type = #tpu.core_type<tc>} {
    %get3A = arith.constant 0 : index
    %get3A_0 = vector.load %arg2[%get3A] : memref<524288xf32, #tpu.memory_space<vmem>>, vector<524288xf32>
    %reshape3A = vector.shape_cast %get3A_0 : vector<524288xf32> to vector<32x16384xf32>
    %reduce_sum3A = arith.constant dense<0.000000e+00> : vector<16384xf32>
    %reduce_sum3A_1 = vector.multi_reduction <add>, %reshape3A, %reduce_sum3A [0] : vector<32x16384xf32> to vector<16384xf32>
    %reshape3A_2 = vector.shape_cast %reduce_sum3A_1 : vector<16384xf32> to vector<16384x1xf32>
    %slice3A = vector.extract_strided_slice %reshape3A_2 {offsets = [0, 0], sizes = [10000, 1], strides = [1, 1]} : vector<16384x1xf32> to vector<10000x1xf32>
    %add3A = arith.constant 1.000000e+00 : f32
    %add3A_3 = vector.broadcast %add3A : f32 to vector<10000x1xf32>
    %add3A_4 = arith.addf %slice3A, %add3A_3 : vector<10000x1xf32>
    %rsqrt3A = math.rsqrt %add3A_4 : vector<10000x1xf32>
    %get3A_5 = arith.constant 0 : index
    %get3A_6 = arith.constant 0 : index
    %get3A_7 = vector.load %arg0[%get3A_5, %get3A_6] : memref<10000x128xf32, #tpu.memory_space<vmem>>, vector<10000x128xf32>
    %mul3A = vector.broadcast %rsqrt3A : vector<10000x1xf32> to vector<10000x128xf32>
    %mul3A_8 = arith.mulf %mul3A, %get3A_7 : vector<10000x128xf32>
    %get3A_9 = arith.constant 0 : index
    %get3A_10 = arith.constant 0 : index
    %get3A_11 = vector.load %arg1[%get3A_9, %get3A_10] : memref<128x128xf32, #tpu.memory_space<vmem>>, vector<128x128xf32>
    %dot_general3A = arith.constant dense<0.000000e+00> : vector<10000x128xf32>
    %dot_general3A_12 = tpu.matmul %mul3A_8, %get3A_11, %dot_general3A {dimension_numbers = #tpu.dot_dimension_numbers<[1], [0], [0], [1], [0, 0, 1, 1], [], []>, transpose_lhs_hint = false} : vector<10000x128xf32>, vector<128x128xf32>, vector<10000x128xf32> -> vector<10000x128xf32>
    %swap3A = arith.constant 0 : index
    %swap3A_13 = arith.constant 0 : index
    %swap3A_14 = vector.load %arg3[%swap3A, %swap3A_13] : memref<10000x128xf32, #tpu.memory_space<vmem>>, vector<10000x128xf32>
    tpu.vector_store %arg3[%swap3A, %swap3A_13], %dot_general3A_12 {strides = array<i32>} : memref<10000x128xf32, #tpu.memory_space<vmem>>, vector<10000x128xf32>,
    %swap3A_15 = arith.constant 0 : index
    %swap3A_16 = arith.constant 0 : index
    %swap3A_17 = vector.load %arg4[%swap3A_15, %swap3A_16] : memref<10000x1xf32, #tpu.memory_space<vmem>>, vector<10000x1xf32>
    tpu.vector_store %arg4[%swap3A_15, %swap3A_16], %rsqrt3A {strides = array<i32>} : memref<10000x1xf32, #tpu.memory_space<vmem>>, vector<10000x1xf32>,
    return
  }
}

module attributes {stable_mosaic.version = 14 : i64} {
  func.func @_tc2_body(%arg0: memref<20224x128xf32, #tpu.memory_space<vmem>>, %arg1: memref<10000x128xf32, #tpu.memory_space<vmem>>, %arg2: memref<10000x1xf32, #tpu.memory_space<vmem>>, %arg3: memref<10000x128xf32, #tpu.memory_space<vmem>>, %arg4: memref<1x128xf32, #tpu.memory_space<vmem>>, %arg5: memref<1x128xf32, #tpu.memory_space<vmem>>, %arg6: memref<1x128xf32, #tpu.memory_space<vmem>>, %arg7: memref<128x128xf32, #tpu.memory_space<vmem>>, %arg8: memref<10000x128xf32, #tpu.memory_space<vmem>>) attributes {dimension_semantics = [], scalar_prefetch = 0 : i64, scratch_operands = 0 : i64, tpu.core_type = #tpu.core_type<tc>} {
    %get3A = arith.constant 0 : index
    %get3A_0 = arith.constant 0 : index
    %get3A_1 = vector.load %arg0[%get3A, %get3A_0] : memref<20224x128xf32, #tpu.memory_space<vmem>>, vector<20224x128xf32>
    %slice3A = vector.extract_strided_slice %get3A_1 {offsets = [0, 0], sizes = [10000, 128], strides = [1, 1]} : vector<20224x128xf32> to vector<10000x128xf32>
    %slice3A_2 = vector.extract_strided_slice %get3A_1 {offsets = [10112, 0], sizes = [10000, 128], strides = [1, 1]} : vector<20224x128xf32> to vector<10000x128xf32>
    %add3A = arith.addf %slice3A, %slice3A_2 : vector<10000x128xf32>
    %get3A_3 = arith.constant 0 : index
    %get3A_4 = arith.constant 0 : index
    %get3A_5 = vector.load %arg2[%get3A_3, %get3A_4] : memref<10000x1xf32, #tpu.memory_space<vmem>>, vector<10000x1xf32>
    %get3A_6 = arith.constant 0 : index
    %get3A_7 = arith.constant 0 : index
    %get3A_8 = vector.load %arg1[%get3A_6, %get3A_7] : memref<10000x128xf32, #tpu.memory_space<vmem>>, vector<10000x128xf32>
    %add3A_9 = arith.addf %add3A, %get3A_8 : vector<10000x128xf32>
    %mul3A = vector.broadcast %get3A_5 : vector<10000x1xf32> to vector<10000x128xf32>
    %mul3A_10 = arith.mulf %mul3A, %add3A_9 : vector<10000x128xf32>
    %get3A_11 = arith.constant 0 : index
    %get3A_12 = arith.constant 0 : index
    %get3A_13 = vector.load %arg4[%get3A_11, %get3A_12] : memref<1x128xf32, #tpu.memory_space<vmem>>, vector<1x128xf32>
    %add3A_14 = vector.broadcast %get3A_13 : vector<1x128xf32> to vector<10000x128xf32>
    %add3A_15 = arith.addf %mul3A_10, %add3A_14 : vector<10000x128xf32>
    %reduce_sum3A = arith.constant dense<0.000000e+00> : vector<128xf32>
    %reduce_sum3A_16 = vector.multi_reduction <add>, %add3A_15, %reduce_sum3A [0] : vector<10000x128xf32> to vector<128xf32>
    %broadcast_in_dim3A = vector.shape_cast %reduce_sum3A_16 : vector<128xf32> to vector<1x128xf32>
    %div3A = arith.constant 1.000000e+04 : f32
    %div3A_17 = vector.broadcast %div3A : f32 to vector<1x128xf32>
    %div3A_18 = arith.divf %broadcast_in_dim3A, %div3A_17 : vector<1x128xf32>
    %sub3A = vector.broadcast %div3A_18 : vector<1x128xf32> to vector<10000x128xf32>
    %sub3A_19 = arith.subf %add3A_15, %sub3A : vector<10000x128xf32>
    %mul3A_20 = arith.mulf %sub3A_19, %sub3A_19 : vector<10000x128xf32>
    %reduce_sum3A_21 = arith.constant dense<0.000000e+00> : vector<128xf32>
    %reduce_sum3A_22 = vector.multi_reduction <add>, %mul3A_20, %reduce_sum3A_21 [0] : vector<10000x128xf32> to vector<128xf32>
    %broadcast_in_dim3A_23 = vector.shape_cast %reduce_sum3A_22 : vector<128xf32> to vector<1x128xf32>
    %div3A_24 = arith.constant 1.000000e+04 : f32
    %div3A_25 = vector.broadcast %div3A_24 : f32 to vector<1x128xf32>
    %div3A_26 = arith.divf %broadcast_in_dim3A_23, %div3A_25 : vector<1x128xf32>
    %get3A_27 = arith.constant 0 : index
    %get3A_28 = arith.constant 0 : index
    %get3A_29 = vector.load %arg5[%get3A_27, %get3A_28] : memref<1x128xf32, #tpu.memory_space<vmem>>, vector<1x128xf32>
    %mul3A_30 = vector.broadcast %get3A_29 : vector<1x128xf32> to vector<10000x128xf32>
    %mul3A_31 = arith.mulf %mul3A_30, %sub3A_19 : vector<10000x128xf32>
    %add3A_32 = arith.constant 9.99999974E-6 : f32
    %add3A_33 = vector.broadcast %add3A_32 : f32 to vector<1x128xf32>
    %add3A_34 = arith.addf %div3A_26, %add3A_33 : vector<1x128xf32>
    %rsqrt3A = math.rsqrt %add3A_34 : vector<1x128xf32>
    %mul3A_35 = vector.broadcast %rsqrt3A : vector<1x128xf32> to vector<10000x128xf32>
    %mul3A_36 = arith.mulf %mul3A_31, %mul3A_35 : vector<10000x128xf32>
    %get3A_37 = arith.constant 0 : index
    %get3A_38 = arith.constant 0 : index
    %get3A_39 = vector.load %arg6[%get3A_37, %get3A_38] : memref<1x128xf32, #tpu.memory_space<vmem>>, vector<1x128xf32>
    %add3A_40 = vector.broadcast %get3A_39 : vector<1x128xf32> to vector<10000x128xf32>
    %add3A_41 = arith.addf %mul3A_36, %add3A_40 : vector<10000x128xf32>
    %max3A = arith.constant 0.000000e+00 : f32
    %max3A_42 = vector.broadcast %max3A : f32 to vector<10000x128xf32>
    %max3A_43 = arith.maximumf %add3A_41, %max3A_42 : vector<10000x128xf32>
    %get3A_44 = arith.constant 0 : index
    %get3A_45 = arith.constant 0 : index
    %get3A_46 = vector.load %arg3[%get3A_44, %get3A_45] : memref<10000x128xf32, #tpu.memory_space<vmem>>, vector<10000x128xf32>
    %add3A_47 = arith.addf %max3A_43, %get3A_46 : vector<10000x128xf32>
    %mul3A_48 = vector.broadcast %get3A_5 : vector<10000x1xf32> to vector<10000x128xf32>
    %mul3A_49 = arith.mulf %mul3A_48, %add3A_47 : vector<10000x128xf32>
    %get3A_50 = arith.constant 0 : index
    %get3A_51 = arith.constant 0 : index
    %get3A_52 = vector.load %arg7[%get3A_50, %get3A_51] : memref<128x128xf32, #tpu.memory_space<vmem>>, vector<128x128xf32>
    %dot_general3A = arith.constant dense<0.000000e+00> : vector<10000x128xf32>
    %dot_general3A_53 = tpu.matmul %mul3A_49, %get3A_52, %dot_general3A {dimension_numbers = #tpu.dot_dimension_numbers<[1], [0], [0], [1], [0, 0, 1, 1], [], []>, transpose_lhs_hint = false} : vector<10000x128xf32>, vector<128x128xf32>, vector<10000x128xf32> -> vector<10000x128xf32>
    %swap3A = arith.constant 0 : index
    %swap3A_54 = arith.constant 0 : index
    %swap3A_55 = vector.load %arg8[%swap3A, %swap3A_54] : memref<10000x128xf32, #tpu.memory_space<vmem>>, vector<10000x128xf32>
    tpu.vector_store %arg8[%swap3A, %swap3A_54], %dot_general3A_53 {strides = array<i32>} : memref<10000x128xf32, #tpu.memory_space<vmem>>, vector<10000x128xf32>,
    return
  }
}

module attributes {stable_mosaic.version = 14 : i64} {
  func.func @_tc3_body(%arg0: memref<20224x128xf32, #tpu.memory_space<vmem>>, %arg1: memref<10000x128xf32, #tpu.memory_space<vmem>>, %arg2: memref<10000x1xf32, #tpu.memory_space<vmem>>, %arg3: memref<10000x128xf32, #tpu.memory_space<vmem>>, %arg4: memref<1x128xf32, #tpu.memory_space<vmem>>, %arg5: memref<1x128xf32, #tpu.memory_space<vmem>>, %arg6: memref<1x128xf32, #tpu.memory_space<vmem>>, %arg7: memref<10000x128xf32, #tpu.memory_space<vmem>>) attributes {dimension_semantics = [], scalar_prefetch = 0 : i64, scratch_operands = 0 : i64, tpu.core_type = #tpu.core_type<tc>} {
    %get3A = arith.constant 0 : index
    %get3A_0 = arith.constant 0 : index
    %get3A_1 = vector.load %arg0[%get3A, %get3A_0] : memref<20224x128xf32, #tpu.memory_space<vmem>>, vector<20224x128xf32>
    %slice3A = vector.extract_strided_slice %get3A_1 {offsets = [0, 0], sizes = [10000, 128], strides = [1, 1]} : vector<20224x128xf32> to vector<10000x128xf32>
    %slice3A_2 = vector.extract_strided_slice %get3A_1 {offsets = [10112, 0], sizes = [10000, 128], strides = [1, 1]} : vector<20224x128xf32> to vector<10000x128xf32>
    %add3A = arith.addf %slice3A, %slice3A_2 : vector<10000x128xf32>
    %get3A_3 = arith.constant 0 : index
    %get3A_4 = arith.constant 0 : index
    %get3A_5 = vector.load %arg2[%get3A_3, %get3A_4] : memref<10000x1xf32, #tpu.memory_space<vmem>>, vector<10000x1xf32>
    %get3A_6 = arith.constant 0 : index
    %get3A_7 = arith.constant 0 : index
    %get3A_8 = vector.load %arg1[%get3A_6, %get3A_7] : memref<10000x128xf32, #tpu.memory_space<vmem>>, vector<10000x128xf32>
    %add3A_9 = arith.addf %add3A, %get3A_8 : vector<10000x128xf32>
    %mul3A = vector.broadcast %get3A_5 : vector<10000x1xf32> to vector<10000x128xf32>
    %mul3A_10 = arith.mulf %mul3A, %add3A_9 : vector<10000x128xf32>
    %get3A_11 = arith.constant 0 : index
    %get3A_12 = arith.constant 0 : index
    %get3A_13 = vector.load %arg4[%get3A_11, %get3A_12] : memref<1x128xf32, #tpu.memory_space<vmem>>, vector<1x128xf32>
    %add3A_14 = vector.broadcast %get3A_13 : vector<1x128xf32> to vector<10000x128xf32>
    %add3A_15 = arith.addf %mul3A_10, %add3A_14 : vector<10000x128xf32>
    %reduce_sum3A = arith.constant dense<0.000000e+00> : vector<128xf32>
    %reduce_sum3A_16 = vector.multi_reduction <add>, %add3A_15, %reduce_sum3A [0] : vector<10000x128xf32> to vector<128xf32>
    %broadcast_in_dim3A = vector.shape_cast %reduce_sum3A_16 : vector<128xf32> to vector<1x128xf32>
    %div3A = arith.constant 1.000000e+04 : f32
    %div3A_17 = vector.broadcast %div3A : f32 to vector<1x128xf32>
    %div3A_18 = arith.divf %broadcast_in_dim3A, %div3A_17 : vector<1x128xf32>
    %sub3A = vector.broadcast %div3A_18 : vector<1x128xf32> to vector<10000x128xf32>
    %sub3A_19 = arith.subf %add3A_15, %sub3A : vector<10000x128xf32>
    %mul3A_20 = arith.mulf %sub3A_19, %sub3A_19 : vector<10000x128xf32>
    %reduce_sum3A_21 = arith.constant dense<0.000000e+00> : vector<128xf32>
    %reduce_sum3A_22 = vector.multi_reduction <add>, %mul3A_20, %reduce_sum3A_21 [0] : vector<10000x128xf32> to vector<128xf32>
    %broadcast_in_dim3A_23 = vector.shape_cast %reduce_sum3A_22 : vector<128xf32> to vector<1x128xf32>
    %div3A_24 = arith.constant 1.000000e+04 : f32
    %div3A_25 = vector.broadcast %div3A_24 : f32 to vector<1x128xf32>
    %div3A_26 = arith.divf %broadcast_in_dim3A_23, %div3A_25 : vector<1x128xf32>
    %get3A_27 = arith.constant 0 : index
    %get3A_28 = arith.constant 0 : index
    %get3A_29 = vector.load %arg5[%get3A_27, %get3A_28] : memref<1x128xf32, #tpu.memory_space<vmem>>, vector<1x128xf32>
    %mul3A_30 = vector.broadcast %get3A_29 : vector<1x128xf32> to vector<10000x128xf32>
    %mul3A_31 = arith.mulf %mul3A_30, %sub3A_19 : vector<10000x128xf32>
    %add3A_32 = arith.constant 9.99999974E-6 : f32
    %add3A_33 = vector.broadcast %add3A_32 : f32 to vector<1x128xf32>
    %add3A_34 = arith.addf %div3A_26, %add3A_33 : vector<1x128xf32>
    %rsqrt3A = math.rsqrt %add3A_34 : vector<1x128xf32>
    %mul3A_35 = vector.broadcast %rsqrt3A : vector<1x128xf32> to vector<10000x128xf32>
    %mul3A_36 = arith.mulf %mul3A_31, %mul3A_35 : vector<10000x128xf32>
    %get3A_37 = arith.constant 0 : index
    %get3A_38 = arith.constant 0 : index
    %get3A_39 = vector.load %arg6[%get3A_37, %get3A_38] : memref<1x128xf32, #tpu.memory_space<vmem>>, vector<1x128xf32>
    %add3A_40 = vector.broadcast %get3A_39 : vector<1x128xf32> to vector<10000x128xf32>
    %add3A_41 = arith.addf %mul3A_36, %add3A_40 : vector<10000x128xf32>
    %max3A = arith.constant 0.000000e+00 : f32
    %max3A_42 = vector.broadcast %max3A : f32 to vector<10000x128xf32>
    %max3A_43 = arith.maximumf %add3A_41, %max3A_42 : vector<10000x128xf32>
    %get3A_44 = arith.constant 0 : index
    %get3A_45 = arith.constant 0 : index
    %get3A_46 = vector.load %arg3[%get3A_44, %get3A_45] : memref<10000x128xf32, #tpu.memory_space<vmem>>, vector<10000x128xf32>
    %add3A_47 = arith.addf %max3A_43, %get3A_46 : vector<10000x128xf32>
    %swap3A = arith.constant 0 : index
    %swap3A_48 = arith.constant 0 : index
    %swap3A_49 = vector.load %arg7[%swap3A, %swap3A_48] : memref<10000x128xf32, #tpu.memory_space<vmem>>, vector<10000x128xf32>
    tpu.vector_store %arg7[%swap3A, %swap3A_48], %add3A_47 {strides = array<i32>} : memref<10000x128xf32, #tpu.memory_space<vmem>>, vector<10000x128xf32>,
    return
  }
}

</mosaic_0001>

<sc_bundles>
// kernel: kernel.12.cloned.1.call-start
scs
__scs_entry_jumppad:
0x0: {  	(pc) =	sbr.rel $0x88, $3  }
0x1: {  	(tag) =	ssettag $0x0;
	lr =	simm.s32 $0x1  }
0x2: {  	[smem:$0x3F93] =	sst lr;
	_ =	strace $0xD0000000  }
0x3: {  	_ = 	snop  }
0x4: {  	_ = 	snop  }
0x5: {  	_ = 	snop  }
0x6: {  	_ = 	snop  }
0x7: {  	_ = 	snop  }
__scs_overlays_trampoline_lowered:
0x8: {  	[smem:$0x3FA2] =	sst s0  }
0x9: {  	[smem:$0x3FA3] =	sst s1  }
0xa: {  	[smem:$0x3FA4] =	sst s2  }
0xb: {  	[smem:$0x3FA5] =	sst s3  }
0xc: {  	[smem:$0x3FA6] =	sst s4  }
0xd: {  	[smem:$0x3FA7] =	sst s5  }
0xe: {  	[smem:$0x3FA8] =	sst s6  }
0xf: {  	[smem:$0x3FA9] =	sst s7  }
0x10: {  	[smem:$0x3FAA] =	sst s8  }
0x11: {  	[smem:$0x3FAB] =	sst s9;
	s0 =	simm.s32 @!p0 $0x0  }
0x12: {  	s1 =	sld [smem:$0x3F91];
	s0 =	simm.s32 @p0 $0x1  }
0x13: {  	[smem:$0x3FAC] =	sst s0;
	s0 =	simm.s32 @!p1 $0x0  }
0x14: {  	s2 =	sld [smem:$0x3F90];
	s0 =	simm.s32 @p1 $0x1  }
0x15: {  	[smem:$0x3FAD] =	sst s0;
	s0 =	simm.s32 @!p2 $0x0  }
0x16: {  	s3 =	sld [smem:$0x3FDB];
	s0 =	simm.s32 @p2 $0x1  }
0x17: {  	s4 =	simm.s32 $0x1BF5;
	[smem:$0x3FAF] =	sst s0  }
0x18: {  	s0 =	sld [smem:$0x3F92];
	_ =	swait.ge [sflag:s4], $0x0  }
0x19: {  	s7 =	sld [smem:$0x3F93]  }
0x1a: {  	s8 =	sadd.s32 $0xFFFFE003, lr  }
0x1b: {  	s9 =	sadd.s32 $0xFFFFFEF7, lr;
	s5 =	simm.s32 $0xFFFFFFFF;
	p2 =	slt.u32 s8, $0xFFFFF086  }
0x1c: {  	p1 =	slt.u32 s9, $0xF7A;
	s5 =	simm.s32 @!p2 $0x0  }
0x1d: {  	s5 =	simm.s32 @p1 $0x1;
	p0 =	seq.s32 s7, s2  }
0x1e: {  	s7 =	smul.u32 @!p0 $0xF7A, s2;
	p2 =	seq.s32 @!p0 s5, $0x0  }
0x1f: {  	s9 =	smul.u32 $0xF7A, s1;
	s8 =	simm.s32 @!p0 $0x1BF5;
	p2 =	por !p2, p0  }
0x20: {  	[sflag:s8] =	ssyncset.s32 @!p0 $0xFFFFF086;
	s6 =	sadd.s32 @!p0 s3, s7;
	s7 =	simm.s32 @!p0 $0x108  }
0x21: {  	s3 =	sadd.s32 s3, s9;
	s6 =	sadd.s32 @!p0 $0x88, s6;
	s7 =	simm.s32 @p2 $0x1082  }
0x22: {  	[simem:s7], [sflag:s8] =	dma.local @!p0 [hbm:s6], $0xF7A  }
0x23: {  	s9 =	sor.u32 $0xD0000000, s2;
	s6 =	simm.s32 $0x108;
	_ =	swait.ge @!p0 [sflag:s8], $0x0  }
0x24: {  	s3 =	sadd.s32 $0x88, s3;
	s6 =	simm.s32 @!p1 $0x1082;
	[sflag:s4] =	ssyncset.s32 $0xFFFFF086  }
0x25: {  	[simem:s6], [sflag:s4] =	dma.local [hbm:s3], $0xF7A  }
0x26: {  	[smem:$0x3F93] =	sst s1;
	(tag) =	ssettag s2;
	_ =	strace s9  }
0x27: {  	s1 =	sld [smem:$0x3FA3]  }
0x28: {  	s2 =	sld [smem:$0x3FA4]  }
0x29: {  	s4 =	sld [smem:$0x3FA6]  }
0x2a: {  	p0 =	seq.s32 s5, $0x0;
	s5 =	sld [smem:$0x3FA7]  }
0x2b: {  	s6 =	sld [smem:$0x3FA8]  }
0x2c: {  	s7 =	sld [smem:$0x3FA9]  }
0x2d: {  	s3 =	simm.s32 $0x108;
	s8 =	sld [smem:$0x3FAA]  }
0x2e: {  	s3 =	simm.s32 @!p0 $0x1082;
	s9 =	sld [smem:$0x3FAB]  }
0x2f: {  	lr =	sadd.s32 s0, s3;
	s0 =	sld [smem:$0x3FA2]  }
0x30: {  	s3 =	sld [smem:$0x3FA5]  }
0x31: {  	[smem:$0x3FAE] =	sst s10  }
0x32: {  	s10 =	sld [smem:$0x3FAC];
	_ =	sdelay $0x3  }
0x33: {  	p0 =	seq.s32 s10, $0x1;
	s10 =	sld [smem:$0x3FAE];
	_ =	sdelay $0x3  }
0x34: {  	[smem:$0x3FAE] =	sst s10  }
0x35: {  	s10 =	sld [smem:$0x3FAD];
	_ =	sdelay $0x3  }
0x36: {  	p1 =	seq.s32 s10, $0x1;
	s10 =	sld [smem:$0x3FAE];
	_ =	sdelay $0x3  }
0x37: {  	[smem:$0x3FAE] =	sst s10  }
0x38: {  	s10 =	sld [smem:$0x3FAF]  }
0x39: {  	_ = 	snop;
	(pc) =	sbr.ind lr, $3  }
0x3a: {  	_ = 	snop  }
0x3b: {  	_ = 	snop  }
0x3c: {  	p2 =	seq.s32 s10, $0x1;
	s10 =	sld [smem:$0x3FAE]  }
0x3d: {  	_ =	shalt  }
0x3e: {  	_ =	shalt  }
0x3f: {  	_ =	shalt  }
0x40: {  	_ =	shalt  }
0x41: {  	_ =	shalt  }
0x42: {  	_ =	shalt  }
0x43: {  	_ =	shalt  }
0x44: {  	_ =	shalt  }
0x45: {  	_ =	shalt  }
0x46: {  	_ =	shalt  }
0x47: {  	_ =	shalt  }
0x48: {  	_ =	shalt  }
0x49: {  	_ =	shalt  }
0x4a: {  	_ =	shalt  }
0x4b: {  	_ =	shalt  }
0x4c: {  	_ =	shalt  }
0x4d: {  	_ =	shalt  }
0x4e: {  	_ =	shalt  }
0x4f: {  	_ =	shalt  }
0x50: {  	_ =	shalt  }
0x51: {  	_ =	shalt  }
0x52: {  	_ =	shalt  }
0x53: {  	_ =	shalt  }
0x54: {  	_ =	shalt  }
0x55: {  	_ =	shalt  }
0x56: {  	_ =	shalt  }
0x57: {  	_ =	shalt  }
0x58: {  	_ =	shalt  }
0x59: {  	_ =	shalt  }
0x5a: {  	_ =	shalt  }
0x5b: {  	_ =	shalt  }
0x5c: {  	_ =	shalt  }
0x5d: {  	_ =	shalt  }
0x5e: {  	_ =	shalt  }
0x5f: {  	_ =	shalt  }
0x60: {  	_ =	shalt  }
0x61: {  	_ =	shalt  }
0x62: {  	_ =	shalt  }
0x63: {  	_ =	shalt  }
0x64: {  	_ =	shalt  }
0x65: {  	_ =	shalt  }
0x66: {  	_ =	shalt  }
0x67: {  	_ =	shalt  }
0x68: {  	_ =	shalt  }
0x69: {  	_ =	shalt  }
0x6a: {  	_ =	shalt  }
0x6b: {  	_ =	shalt  }
0x6c: {  	_ =	shalt  }
0x6d: {  	_ =	shalt  }
0x6e: {  	_ =	shalt  }
0x6f: {  	_ =	shalt  }
0x70: {  	_ =	shalt  }
0x71: {  	_ =	shalt  }
0x72: {  	_ =	shalt  }
0x73: {  	_ =	shalt  }
0x74: {  	_ =	shalt  }
0x75: {  	_ =	shalt  }
0x76: {  	_ =	shalt  }
0x77: {  	_ =	shalt  }
0x78: {  	_ =	shalt  }
0x79: {  	_ =	shalt  }
0x7a: {  	_ =	shalt  }
0x7b: {  	_ =	shalt  }
0x7c: {  	_ =	shalt  }
0x7d: {  	_ =	shalt  }
0x7e: {  	_ =	shalt  }
0x7f: {  	_ =	shalt  }
0x80: {  	_ =	shalt  }
0x81: {  	_ =	shalt  }
0x82: {  	_ =	shalt  }
0x83: {  	_ =	shalt  }
0x84: {  	_ =	shalt  }
0x85: {  	_ =	shalt  }
0x86: {  	_ =	shalt  }
0x87: {  	_ =	shalt  }
.Lfunc_end0:
.L_simem_size_0:
called_computation.1_lowered:
.L_overlay_start_0:
0x88: {  	s2 =	sld [smem:$0x3FD9]  }
0x89: {  	s3 =	sld [smem:$0x3FFE];
	_ =	sdelay $0x1  }
0x8a: {  	s1 =	srdreg.scid  }
0x8b: {  	s0 =	sand.u32 $0x1, s1  }
0x8c: {  	s17 =	sshll.u32 s0, $0xA;
	s2 =	sadd.s32 s3, s2  }
0x8d: {  	s2 =	sadd.s32 s2, s17  }
0x8e: {  	[smem:$0x3FBA] =	sst s2  }
0x8f: {  	_ = 	snop  }
0x90: {  	s2 =	sld [smem:$0x3FD0];
	(tm) =	ssettm $0x1  }
0x91: {  	s18 =	sld [smem:$0x3FFB];
	_ =	sdelay $0x3  }
0x92: {  	_ =	strace s18  }
0x93: {  	s3 =	sld [smem:$0x3FFC];
	_ =	sdelay $0x3  }
0x94: {  	_ =	strace s3  }
0x95: {  	s3 =	sld [smem:$0x3FFD];
	_ =	sdelay $0x3  }
0x96: {  	_ =	strace s3  }
0x97: {  	_ =	strace $0x8FFFFFFF  }
0x98: {  	s19 =	sld [smem:$0x3FDB];
	_ =	sdelay $0x1  }
0x99: {  	s4 =	simm.s32 $_scs_section_size  }
0x9a: {  	s5 =	simm.s32 $_size__tile_overlayer_lowered;
	s6 =	simm.s32 $_tile_overlayer_lowered  }
0x9b: {  	s22 =	simm.s32 $0x1BFF;
	s21 =	sshll.u32 s6, $0x1;
	s3 =	sadd.s32 s4, s19  }
0x9c: {  	s7 =	simm.s32 $0x0;
	s20 =	sshll.u32 s5, $0x1;
	s5 =	sadd.s32 s21, s3  }
0x9d: {  	[timem:s7], [sflag:s22] =	dma.local [hbm:s5], s20  }
0x9e: {  	_ =	swait.ge [sflag:s22], s20  }
0x9f: {  	s4 =	ssub.s32 $0x0, s20;
	[sflag:s22] =	ssyncset.done $0x0  }
0xa0: {  	[sflag:s22] =	ssyncadd.s32 s4;
	_ =	sdelay $0x1  }
0xa1: {  	s23 =	simm.s32 $0x1B8B  }
0xa2: {  	_ =	swait.ge [sflag:s23], $0x1  }
0xa3: {  	[sflag:s23] =	ssyncset.done $0x0  }
0xa4: {  	s25 =	simm.s32 $0x1B8E;
	s24 =	sld [smem:$0x3FFE];
	[sflag:s23] =	ssyncadd.s32 $0xFFFFFFFF  }
0xa5: {  	s26 =	simm.s32 $execute0_lowered;
	[smem:$0x3FD2] =	sst s25  }
0xa6: {  	s5 =	sshll.u32 s26, $0x1;
	_ =	strace $0x80000049;
	[dreg:$0x1] =	wrdreg $0xFFFFFFFF  }
0xa7: {  	s28 =	simm.s32 $_size_execute0_lowered;
	s3 =	sadd.s32 s3, s5;
	[dreg:$0x0] =	wrdreg $0x0  }
0xa8: {  	s5 =	sshll.u32 s28, $0x1;
	[dreg:$0x2] =	wrdreg s3  }
0xa9: {  	[dreg:$0x3] =	wrdreg s5  }
0xaa: {  	[dreg:$0x4] =	wrdreg $0xC0  }
0xab: {  	_ =	task [dreg:s7], $0x5FFFF  }
0xac: {  	[dreg:$0x1] =	wrdreg $0xFFFFFFFF  }
0xad: {  	[dreg:$0x0] =	wrdreg $0x60  }
0xae: {  	[dreg:$0x2] =	wrdreg s2  }
0xaf: {  	[dreg:$0x3] =	wrdreg s24  }
0xb0: {  	[dreg:$0x4] =	wrdreg $0xA8000  }
0xb1: {  	[dreg:$0x5] =	wrdreg $0x9  }
0xb2: {  	_ =	task.clear_ibuf [dreg:s7], $0x6FFFF;
	_ =	strace $0x90000049  }
0xb3: {  	s29 =	simm.s32 $0x9;
	_ =	strace $0x8000004B  }
0xb4: {  	_ =	swait.ge [sflag:s29], $0x1  }
0xb5: {  	[sflag:s29] =	ssyncadd.s32 $0xFFFFFFFF  }
0xb6: {  	_ =	strace $0x9000004B  }
0xb7: {  	_ =	sfence  }
0xb8: {  	s30 =	sld [smem:$0x0];
	_ =	sdelay $0x2  }
0xb9: {  	s31 =	sshll.u32 s1, $0xD;
	s1 =	sshrl.u32 s1, $0x2  }
0xba: {  	s3 =	sand.u32 $0x4000, s31;
	s1 =	sadd.s32 s1, s30  }
0xbb: {  	s0 =	sor.u32 s3, s0;
	s1 =	sshll.u32 s1, $0x11  }
0xbc: {  	s0 =	sor.u32 s1, s0  }
0xbd: {  	s0 =	sadd.s32 $0x8F2B, s0  }
0xbe: {  	[sflag:s0] =	ssyncadd.remote.s32 $0x1  }
0xbf: {  	_ =	sfence.sel $0xFFFF  }
0xc0: {  	[dreg:$0x0] =	wrdreg $0xFFFFFFFF;
	(pc) =	sbr.abs _section_cstart, $3  }
0xc1: {  	[dreg:$0x1] =	wrdreg $0xFFFFFFFF  }
0xc2: {  	_ =	task.clear_ibuf [dreg:s7], $0x2FFFF;
	_ =	strace $0x9FFFFFFF  }
0xc3: {  	(tm) =	ssettm $0x7FFFFFFF  }
tec
execute0_lowered:
.L_overlay_start_1:
0x0: {  	(tag) =	ssettag $0x1  }
0x1: {  	s1 =	rddreg [dreg:$0x0]  }
0x2: {  	s5 =	rddreg [dreg:$0x1]  }
0x3: {  	s3 =	rddreg [dreg:$0x2]  }
0x4: {  	s0 =	rddreg [dreg:$0x3]  }
0x5: {  	s4 =	simm.s32 $0x0;
	s2 =	stileid.u32;
	s6 =	srdreg.scid  }
0x6: {  	s16 =	simm.s32 $0x80;
	s17 =	simm.s32 $0x2800;
	s18 =	simm.s32 $0x1  }
0x7: {  	s19 =	simm.s32 $0x6800;
	s20 =	simm.s32 $0x2;
	s21 =	simm.s32 $0x1480  }
0x8: {  	s22 =	simm.s32 $0x3;
	s23 =	simm.s32 $0x100;
	[smem:$0x7FF] =	sst s4  }
0x9: {  	s7 =	smul.u32 $0x2780, s2;
	s6 =	sand.u32 $0x1, s6;
	s9 =	sadd.s32 $0x17800, s5  }
0xa: {  	s10 =	sadd.s32 $0xD800, s5;
	s24 =	smul.u32 $0x4F000, s2;
	s30 =	sshll.u32 s2, $0x6  }
0xb: {  	_ =	strace $0x8000004A;
	s8 =	smul.u32 $0x27800, s6;
	s12 =	sshll.u32 s6, $0x4  }
0xc: {  	s25 =	ssub.s32 $0x2, s6;
	s6 =	sor.u32 $0x1C05, s30;
	s11 =	sadd.s32 s7, s5  }
0xd: {  	s26 =	sor.u32 s2, s12;
	s28 =	sshrl.u32 s25, $0x1;
	s7 =	sadd.s32 s7, s8  }
0xe: {  	s8 =	sshrl.u32 s24, $0x2;
	s12 =	smul.u32 $0x2800, s26;
	s14 =	ssub.s32 s25, s28  }
0xf: {  	s29 =	smul.u32 $0x500, s26;
	s24 =	simm.s32 $0x4;
	s25 =	simm.s32 $0x0  }
.Ltmp0:
0x10: {  	s13 =	sadd.s32 s7, s5;
	s15 =	sadd.s32 s8, s3;
	(pc) =	sbr.rel .LBB2_1-.Ltmp0, $4  }
0x11: {  	s5 =	sadd.s32 $0x21800, s11;
	s31 =	sshrl.u32 s12, $0x3;
	s7 =	sadd.s32 s9, s29  }
0x12: {  	s8 =	sadd.s32 s10, s29;
	s12 =	smax.u32 s14, $0x1;
	s11 =	sadd.s32 $0x280, s31  }
0x13: {  	s14 =	simm.s32 $0x5;
	s9 =	sadd.s32 s9, s11;
	s10 =	sadd.s32 s10, s11  }
0x14: {  	s11 =	sadd.s32 $0x49000, s13;
	s13 =	sshrl.u32 s15, $0x3;
	s15 =	simm.s32 $0x1400  }
.LBB2_7:
0x15: {  	_ =	swait.ge [sflag:s24], $0x4000  }
0x16: {  	s25 =	sadd.s32 $0x1, s25;
	[sflag:s24] =	ssyncset.done $0x0  }
0x17: {  	p0 =	sne.s32 s25, s12;
	[sflag:s24] =	ssyncadd.s32 $0xFFFFC000  }
.Ltmp1:
0x18: {  	[bflag:$0x0] =	sbarrier.arrive $0xFFFF;
	(pc) =	sbr.rel @!p0 .LBB2_8-.Ltmp1, $4  }
0x19: {  	[hbm:s11], [sflag:s6] =	dma.local [spmem:s13], $0x2780  }
0x1a: {  	_ =	swait.ge [sflag:s14], $0x2780  }
0x1b: {  	[sflag:s14] =	ssyncset.done $0x0  }
0x1c: {  	[sflag:s14] =	ssyncadd.s32 $0xFFFFD880  }
.LBB2_1:
0x1d: {  	[spmem:s13], [sflag:s6] =	dma.local [hbm:s5], $0x2780  }
0x1e: {  	_ =	swait.ge [sflag:s14], $0x2780  }
0x1f: {  	[sflag:s14] =	ssyncset.done $0x0  }
0x20: {  	[sflag:s14] =	ssyncadd.s32 $0xFFFFD880  }
0x21: {  	[bflag:$0x0] =	sbarrier.arrive $0xFFFF  }
0x22: {  	[tilespmem:s4], [sflag:$0x5] =	stream.linear.gather [hbm4b:s7+s4], $0x1400, $0x38;
	[tilespmem:$0x1E400] =	vst v63  }
0x23: {  	_ =	swait.ge [sflag:s14], $0x1400  }
0x24: {  	[sflag:s14] =	ssyncset.done $0x0  }
0x25: {  	[sflag:s14] =	ssyncadd.s32 $0xFFFFEC00  }
0x26: {  	[tilespmem:s15], [sflag:$0x5] =	stream.linear.gather [hbm4b:s8+s4], $0x1400, $0x38;
	[tilespmem:$0x1E400] =	vst v63  }
0x27: {  	_ =	swait.ge [sflag:s14], $0x1400  }
0x28: {  	[sflag:s14] =	ssyncset.done $0x0  }
0x29: {  	[sflag:s14] =	ssyncadd.s32 $0xFFFFEC00  }
0x2a: {  	[tilespmem:s17], [sflag:$0x1] =	stream.indirect.gather [hbm4b:s1+s16], $0x80, s4, s16, $0xb8;
	[tilespmem:$0x1E400] =	vst v63  }
0x2b: {  	_ =	swait.ge [sflag:s18], $0x4000  }
0x2c: {  	[sflag:s18] =	ssyncset.done $0x0  }
0x2d: {  	[sflag:s18] =	ssyncadd.s32 $0xFFFFC000  }
0x2e: {  	[spmem:s3] =	stream.indirect.scatter.add.f32 [tilespmem:s17], [sflag:$0x3], $0x80, s15, s16, $0xb8;
	[tilespmem:$0x1E400] =	vst v63  }
0x2f: {  	_ = 	snop  }
0x30: {  	[tilespmem:s19], [sflag:$0x2] =	stream.indirect.gather [hbm4b:s1+s16], $0x80, s16, s16, $0xb8;
	[tilespmem:$0x1E400] =	vst v63  }
0x31: {  	_ =	swait.ge [sflag:s20], $0x4000  }
0x32: {  	[sflag:s20] =	ssyncset.done $0x0  }
0x33: {  	[sflag:s20] =	ssyncadd.s32 $0xFFFFC000  }
0x34: {  	[spmem:s3] =	stream.indirect.scatter.add.f32 [tilespmem:s19], [sflag:$0x4], $0x80, s21, s16, $0xb8;
	[tilespmem:$0x1E400] =	vst v63  }
0x35: {  	_ =	swait.ge [sflag:s22], $0x4000  }
0x36: {  	[sflag:s22] =	ssyncset.done $0x0  }
0x37: {  	s26 =	simm.s32 $0xFFFFB800;
	[sflag:s22] =	ssyncadd.s32 $0xFFFFC000  }
0x38: {  	[tilespmem:s17], [sflag:$0x1] =	stream.indirect.gather [hbm4b:s1+s16], $0x80, s23, s16, $0xb8;
	[tilespmem:$0x1E400] =	vst v63  }
.LBB2_2:
0x39: {  	_ =	swait.ge [sflag:s18], $0x4000  }
0x3a: {  	s28 =	sshra.s32 s26, $0x2;
	[sflag:s18] =	ssyncset.done $0x0  }
0x3b: {  	s29 =	sadd.s32 $0x2700, s28;
	[sflag:s18] =	ssyncadd.s32 $0xFFFFC000  }
0x3c: {  	[spmem:s3] =	stream.indirect.scatter.add.f32 [tilespmem:s17], [sflag:$0x3], $0x80, s29, s16, $0xb8;
	[tilespmem:$0x1E400] =	vst v63  }
0x3d: {  	_ =	swait.ge [sflag:s24], $0x4000  }
0x3e: {  	[sflag:s24] =	ssyncset.done $0x0  }
0x3f: {  	s30 =	sadd.s32 $0x1380, s28;
	[sflag:s24] =	ssyncadd.s32 $0xFFFFC000  }
0x40: {  	[tilespmem:s19], [sflag:$0x2] =	stream.indirect.gather [hbm4b:s1+s16], $0x80, s30, s16, $0xb8;
	[tilespmem:$0x1E400] =	vst v63  }
0x41: {  	_ =	swait.ge [sflag:s20], $0x4000  }
0x42: {  	p0 =	seq.s32 s26, $0x0;
	[sflag:s20] =	ssyncset.done $0x0  }
.Ltmp2:
0x43: {  	s31 =	sadd.s32 $0x2780, s28;
	[sflag:s20] =	ssyncadd.s32 $0xFFFFC000;
	(pc) =	sbr.rel @p0 .LBB2_4-.Ltmp2, $4  }
0x44: {  	[spmem:s3] =	stream.indirect.scatter.add.f32 [tilespmem:s19], [sflag:$0x4], $0x80, s31, s16, $0xb8;
	[tilespmem:$0x1E400] =	vst v63  }
0x45: {  	_ =	swait.ge [sflag:s22], $0x4000  }
0x46: {  	[sflag:s22] =	ssyncset.done $0x0  }
0x47: {  	[sflag:s22] =	ssyncadd.s32 $0xFFFFC000  }
.Ltmp3:
0x48: {  	(pc) =	sbr.rel .LBB2_2-.Ltmp3, $3  }
0x49: {  	_ =	sdelay $0x1  }
0x4a: {  	s28 =	sadd.s32 $0x1400, s28;
	s26 =	sadd.s32 $0x400, s26  }
0x4b: {  	[tilespmem:s17], [sflag:$0x1] =	stream.indirect.gather [hbm4b:s1+s16], $0x80, s28, s16, $0xb8;
	[tilespmem:$0x1E400] =	vst v63  }
.LBB2_4:
0x4c: {  	_ =	swait.ge [sflag:s24], $0x4000  }
0x4d: {  	[sflag:s24] =	ssyncset.done $0x0  }
0x4e: {  	[sflag:s24] =	ssyncadd.s32 $0xFFFFC000  }
0x4f: {  	[tilespmem:s4], [sflag:$0x5] =	stream.linear.gather [hbm4b:s9+s4], $0x1400, $0x38;
	[tilespmem:$0x1E400] =	vst v63  }
0x50: {  	_ =	swait.ge [sflag:s14], $0x1400  }
0x51: {  	[sflag:s14] =	ssyncset.done $0x0  }
0x52: {  	[sflag:s14] =	ssyncadd.s32 $0xFFFFEC00  }
0x53: {  	[tilespmem:s15], [sflag:$0x5] =	stream.linear.gather [hbm4b:s10+s4], $0x1400, $0x38;
	[tilespmem:$0x1E400] =	vst v63  }
0x54: {  	_ =	swait.ge [sflag:s14], $0x1400  }
0x55: {  	[sflag:s14] =	ssyncset.done $0x0  }
0x56: {  	[sflag:s14] =	ssyncadd.s32 $0xFFFFEC00  }
0x57: {  	[tilespmem:s17], [sflag:$0x1] =	stream.indirect.gather [hbm4b:s1+s16], $0x80, s4, s16, $0xb8;
	[tilespmem:$0x1E400] =	vst v63  }
0x58: {  	_ =	swait.ge [sflag:s18], $0x4000  }
0x59: {  	[sflag:s18] =	ssyncset.done $0x0  }
0x5a: {  	[sflag:s18] =	ssyncadd.s32 $0xFFFFC000  }
0x5b: {  	[spmem:s3] =	stream.indirect.scatter.add.f32 [tilespmem:s17], [sflag:$0x3], $0x80, s15, s16, $0xb8;
	[tilespmem:$0x1E400] =	vst v63  }
0x5c: {  	_ = 	snop  }
0x5d: {  	[tilespmem:s19], [sflag:$0x2] =	stream.indirect.gather [hbm4b:s1+s16], $0x80, s16, s16, $0xb8;
	[tilespmem:$0x1E400] =	vst v63  }
0x5e: {  	_ =	swait.ge [sflag:s20], $0x4000  }
0x5f: {  	[sflag:s20] =	ssyncset.done $0x0  }
0x60: {  	[sflag:s20] =	ssyncadd.s32 $0xFFFFC000  }
0x61: {  	[spmem:s3] =	stream.indirect.scatter.add.f32 [tilespmem:s19], [sflag:$0x4], $0x80, s21, s16, $0xb8;
	[tilespmem:$0x1E400] =	vst v63  }
0x62: {  	_ =	swait.ge [sflag:s22], $0x4000  }
0x63: {  	[sflag:s22] =	ssyncset.done $0x0  }
0x64: {  	s26 =	simm.s32 $0xFFFFB800;
	[sflag:s22] =	ssyncadd.s32 $0xFFFFC000  }
0x65: {  	[tilespmem:s17], [sflag:$0x1] =	stream.indirect.gather [hbm4b:s1+s16], $0x80, s23, s16, $0xb8;
	[tilespmem:$0x1E400] =	vst v63  }
.LBB2_5:
0x66: {  	_ =	swait.ge [sflag:s18], $0x4000  }
0x67: {  	s28 =	sshra.s32 s26, $0x2;
	[sflag:s18] =	ssyncset.done $0x0  }
0x68: {  	s29 =	sadd.s32 $0x2700, s28;
	[sflag:s18] =	ssyncadd.s32 $0xFFFFC000  }
0x69: {  	[spmem:s3] =	stream.indirect.scatter.add.f32 [tilespmem:s17], [sflag:$0x3], $0x80, s29, s16, $0xb8;
	[tilespmem:$0x1E400] =	vst v63  }
0x6a: {  	_ =	swait.ge [sflag:s24], $0x4000  }
0x6b: {  	[sflag:s24] =	ssyncset.done $0x0  }
0x6c: {  	s30 =	sadd.s32 $0x1380, s28;
	[sflag:s24] =	ssyncadd.s32 $0xFFFFC000  }
0x6d: {  	[tilespmem:s19], [sflag:$0x2] =	stream.indirect.gather [hbm4b:s1+s16], $0x80, s30, s16, $0xb8;
	[tilespmem:$0x1E400] =	vst v63  }
0x6e: {  	_ =	swait.ge [sflag:s20], $0x4000  }
0x6f: {  	p0 =	seq.s32 s26, $0x0;
	[sflag:s20] =	ssyncset.done $0x0  }
.Ltmp4:
0x70: {  	s31 =	sadd.s32 $0x2780, s28;
	[sflag:s20] =	ssyncadd.s32 $0xFFFFC000;
	(pc) =	sbr.rel @p0 .LBB2_7-.Ltmp4, $4  }
0x71: {  	[spmem:s3] =	stream.indirect.scatter.add.f32 [tilespmem:s19], [sflag:$0x4], $0x80, s31, s16, $0xb8;
	[tilespmem:$0x1E400] =	vst v63  }
0x72: {  	_ =	swait.ge [sflag:s22], $0x4000  }
0x73: {  	[sflag:s22] =	ssyncset.done $0x0  }
0x74: {  	[sflag:s22] =	ssyncadd.s32 $0xFFFFC000  }
.Ltmp5:
0x75: {  	(pc) =	sbr.rel .LBB2_5-.Ltmp5, $3  }
0x76: {  	_ =	sdelay $0x1  }
0x77: {  	s28 =	sadd.s32 $0x1400, s28;
	s26 =	sadd.s32 $0x400, s26  }
0x78: {  	[tilespmem:s17], [sflag:$0x1] =	stream.indirect.gather [hbm4b:s1+s16], $0x80, s28, s16, $0xb8;
	[tilespmem:$0x1E400] =	vst v63  }
.LBB2_8:
0x79: {  	_ =	sfence.sel $0x180000  }
0x7a: {  	[bflag:$0x0] =	sbarrier.arrive $0xFFFF  }
0x7b: {  	p0 =	sne.s32 s2, $0x0;
	_ =	strace $0x9000004A  }
0x7c: {  	s0 =	sadd.s32 @!p0 $0x100000, s0;
	[bflag:$0x2] =	sbarrier.arrive $0xFFFF  }
0x7d: {  	[sflag:s0] =	ssyncadd.tile.s32 @!p0 $0x1;
	_ =	shalt  }
.Lfunc_end2:
_tile_overlayer_lowered:
.L_overlay_start_2:
0x7e: {  	(tag) =	ssettag $0x2  }
0x7f: {  	s0 =	rddreg [dreg:$0x0];
	s2 =	stileid.u32  }
0x80: {  	s1 =	rddreg [dreg:$0x1];
	p0 =	sne.s32 s2, $0x0  }
0x81: {  	s3 =	rddreg [dreg:$0x2];
	[bflag:$0x3] =	sbarrier.arrive $0xFFFF;
	s2 =	simm.s32 @!p0 $0x1C05  }
0x82: {  	[timem:s3], [sflag:s2] =	dma.local @!p0 [hbm:s0], s1  }
0x83: {  	s0 =	simm.s32 @!p0 $0x5  }
0x84: {  	_ =	swait.ge @!p0 [sflag:s0], s1  }
0x85: {  	s1 =	ssub.s32 @!p0 $0x0, s1;
	[sflag:s0] =	ssyncset.done @!p0 $0x0  }
0x86: {  	[sflag:s0] =	ssyncadd.s32 @!p0 s1  }
0x87: {  	[bflag:$0x3] =	sbarrier.arrive $0xFFFF  }
0x88: {  	_ =	shalt  }

// kernel: kernel.15.cloned.1.call-start
scs
__scs_entry_jumppad:
0x0: {  	(pc) =	sbr.rel $0x88, $3  }
0x1: {  	(tag) =	ssettag $0x0;
	lr =	simm.s32 $0x1  }
0x2: {  	[smem:$0x3F93] =	sst lr;
	_ =	strace $0xD0000000  }
0x3: {  	_ = 	snop  }
0x4: {  	_ = 	snop  }
0x5: {  	_ = 	snop  }
0x6: {  	_ = 	snop  }
0x7: {  	_ = 	snop  }
__scs_overlays_trampoline_lowered:
0x8: {  	[smem:$0x3FA2] =	sst s0  }
0x9: {  	[smem:$0x3FA3] =	sst s1  }
0xa: {  	[smem:$0x3FA4] =	sst s2  }
0xb: {  	[smem:$0x3FA5] =	sst s3  }
0xc: {  	[smem:$0x3FA6] =	sst s4  }
0xd: {  	[smem:$0x3FA7] =	sst s5  }
0xe: {  	[smem:$0x3FA8] =	sst s6  }
0xf: {  	[smem:$0x3FA9] =	sst s7  }
0x10: {  	[smem:$0x3FAA] =	sst s8  }
0x11: {  	[smem:$0x3FAB] =	sst s9;
	s0 =	simm.s32 @!p0 $0x0  }
0x12: {  	s1 =	sld [smem:$0x3F91];
	s0 =	simm.s32 @p0 $0x1  }
0x13: {  	[smem:$0x3FAC] =	sst s0;
	s0 =	simm.s32 @!p1 $0x0  }
0x14: {  	s2 =	sld [smem:$0x3F90];
	s0 =	simm.s32 @p1 $0x1  }
0x15: {  	[smem:$0x3FAD] =	sst s0;
	s0 =	simm.s32 @!p2 $0x0  }
0x16: {  	s3 =	sld [smem:$0x3FDB];
	s0 =	simm.s32 @p2 $0x1  }
0x17: {  	s4 =	simm.s32 $0x1BF5;
	[smem:$0x3FAF] =	sst s0  }
0x18: {  	s0 =	sld [smem:$0x3F92];
	_ =	swait.ge [sflag:s4], $0x0  }
0x19: {  	s7 =	sld [smem:$0x3F93]  }
0x1a: {  	s8 =	sadd.s32 $0xFFFFE003, lr  }
0x1b: {  	s9 =	sadd.s32 $0xFFFFFEF7, lr;
	s5 =	simm.s32 $0xFFFFFFFF;
	p2 =	slt.u32 s8, $0xFFFFF086  }
0x1c: {  	p1 =	slt.u32 s9, $0xF7A;
	s5 =	simm.s32 @!p2 $0x0  }
0x1d: {  	s5 =	simm.s32 @p1 $0x1;
	p0 =	seq.s32 s7, s2  }
0x1e: {  	s7 =	smul.u32 @!p0 $0xF7A, s2;
	p2 =	seq.s32 @!p0 s5, $0x0  }
0x1f: {  	s9 =	smul.u32 $0xF7A, s1;
	s8 =	simm.s32 @!p0 $0x1BF5;
	p2 =	por !p2, p0  }
0x20: {  	[sflag:s8] =	ssyncset.s32 @!p0 $0xFFFFF086;
	s6 =	sadd.s32 @!p0 s3, s7;
	s7 =	simm.s32 @!p0 $0x108  }
0x21: {  	s3 =	sadd.s32 s3, s9;
	s6 =	sadd.s32 @!p0 $0x88, s6;
	s7 =	simm.s32 @p2 $0x1082  }
0x22: {  	[simem:s7], [sflag:s8] =	dma.local @!p0 [hbm:s6], $0xF7A  }
0x23: {  	s9 =	sor.u32 $0xD0000000, s2;
	s6 =	simm.s32 $0x108;
	_ =	swait.ge @!p0 [sflag:s8], $0x0  }
0x24: {  	s3 =	sadd.s32 $0x88, s3;
	s6 =	simm.s32 @!p1 $0x1082;
	[sflag:s4] =	ssyncset.s32 $0xFFFFF086  }
0x25: {  	[simem:s6], [sflag:s4] =	dma.local [hbm:s3], $0xF7A  }
0x26: {  	[smem:$0x3F93] =	sst s1;
	(tag) =	ssettag s2;
	_ =	strace s9  }
0x27: {  	s1 =	sld [smem:$0x3FA3]  }
0x28: {  	s2 =	sld [smem:$0x3FA4]  }
0x29: {  	s4 =	sld [smem:$0x3FA6]  }
0x2a: {  	p0 =	seq.s32 s5, $0x0;
	s5 =	sld [smem:$0x3FA7]  }
0x2b: {  	s6 =	sld [smem:$0x3FA8]  }
0x2c: {  	s7 =	sld [smem:$0x3FA9]  }
0x2d: {  	s3 =	simm.s32 $0x108;
	s8 =	sld [smem:$0x3FAA]  }
0x2e: {  	s3 =	simm.s32 @!p0 $0x1082;
	s9 =	sld [smem:$0x3FAB]  }
0x2f: {  	lr =	sadd.s32 s0, s3;
	s0 =	sld [smem:$0x3FA2]  }
0x30: {  	s3 =	sld [smem:$0x3FA5]  }
0x31: {  	[smem:$0x3FAE] =	sst s10  }
0x32: {  	s10 =	sld [smem:$0x3FAC];
	_ =	sdelay $0x3  }
0x33: {  	p0 =	seq.s32 s10, $0x1;
	s10 =	sld [smem:$0x3FAE];
	_ =	sdelay $0x3  }
0x34: {  	[smem:$0x3FAE] =	sst s10  }
0x35: {  	s10 =	sld [smem:$0x3FAD];
	_ =	sdelay $0x3  }
0x36: {  	p1 =	seq.s32 s10, $0x1;
	s10 =	sld [smem:$0x3FAE];
	_ =	sdelay $0x3  }
0x37: {  	[smem:$0x3FAE] =	sst s10  }
0x38: {  	s10 =	sld [smem:$0x3FAF]  }
0x39: {  	_ = 	snop;
	(pc) =	sbr.ind lr, $3  }
0x3a: {  	_ = 	snop  }
0x3b: {  	_ = 	snop  }
0x3c: {  	p2 =	seq.s32 s10, $0x1;
	s10 =	sld [smem:$0x3FAE]  }
0x3d: {  	_ =	shalt  }
0x3e: {  	_ =	shalt  }
0x3f: {  	_ =	shalt  }
0x40: {  	_ =	shalt  }
0x41: {  	_ =	shalt  }
0x42: {  	_ =	shalt  }
0x43: {  	_ =	shalt  }
0x44: {  	_ =	shalt  }
0x45: {  	_ =	shalt  }
0x46: {  	_ =	shalt  }
0x47: {  	_ =	shalt  }
0x48: {  	_ =	shalt  }
0x49: {  	_ =	shalt  }
0x4a: {  	_ =	shalt  }
0x4b: {  	_ =	shalt  }
0x4c: {  	_ =	shalt  }
0x4d: {  	_ =	shalt  }
0x4e: {  	_ =	shalt  }
0x4f: {  	_ =	shalt  }
0x50: {  	_ =	shalt  }
0x51: {  	_ =	shalt  }
0x52: {  	_ =	shalt  }
0x53: {  	_ =	shalt  }
0x54: {  	_ =	shalt  }
0x55: {  	_ =	shalt  }
0x56: {  	_ =	shalt  }
0x57: {  	_ =	shalt  }
0x58: {  	_ =	shalt  }
0x59: {  	_ =	shalt  }
0x5a: {  	_ =	shalt  }
0x5b: {  	_ =	shalt  }
0x5c: {  	_ =	shalt  }
0x5d: {  	_ =	shalt  }
0x5e: {  	_ =	shalt  }
0x5f: {  	_ =	shalt  }
0x60: {  	_ =	shalt  }
0x61: {  	_ =	shalt  }
0x62: {  	_ =	shalt  }
0x63: {  	_ =	shalt  }
0x64: {  	_ =	shalt  }
0x65: {  	_ =	shalt  }
0x66: {  	_ =	shalt  }
0x67: {  	_ =	shalt  }
0x68: {  	_ =	shalt  }
0x69: {  	_ =	shalt  }
0x6a: {  	_ =	shalt  }
0x6b: {  	_ =	shalt  }
0x6c: {  	_ =	shalt  }
0x6d: {  	_ =	shalt  }
0x6e: {  	_ =	shalt  }
0x6f: {  	_ =	shalt  }
0x70: {  	_ =	shalt  }
0x71: {  	_ =	shalt  }
0x72: {  	_ =	shalt  }
0x73: {  	_ =	shalt  }
0x74: {  	_ =	shalt  }
0x75: {  	_ =	shalt  }
0x76: {  	_ =	shalt  }
0x77: {  	_ =	shalt  }
0x78: {  	_ =	shalt  }
0x79: {  	_ =	shalt  }
0x7a: {  	_ =	shalt  }
0x7b: {  	_ =	shalt  }
0x7c: {  	_ =	shalt  }
0x7d: {  	_ =	shalt  }
0x7e: {  	_ =	shalt  }
0x7f: {  	_ =	shalt  }
0x80: {  	_ =	shalt  }
0x81: {  	_ =	shalt  }
0x82: {  	_ =	shalt  }
0x83: {  	_ =	shalt  }
0x84: {  	_ =	shalt  }
0x85: {  	_ =	shalt  }
0x86: {  	_ =	shalt  }
0x87: {  	_ =	shalt  }
.Lfunc_end0:
.L_simem_size_0:
called_computation.2_lowered:
.L_overlay_start_0:
0x88: {  	s2 =	sld [smem:$0x3FD9]  }
0x89: {  	s3 =	sld [smem:$0x3FFE];
	_ =	sdelay $0x1  }
0x8a: {  	s1 =	srdreg.scid  }
0x8b: {  	s0 =	sand.u32 $0x1, s1  }
0x8c: {  	s17 =	sshll.u32 s0, $0xA;
	s2 =	sadd.s32 s3, s2  }
0x8d: {  	s2 =	sadd.s32 s2, s17  }
0x8e: {  	[smem:$0x3FBA] =	sst s2  }
0x8f: {  	_ = 	snop  }
0x90: {  	s2 =	sld [smem:$0x3FD0];
	(tm) =	ssettm $0x1  }
0x91: {  	s18 =	sld [smem:$0x3FFB];
	_ =	sdelay $0x3  }
0x92: {  	_ =	strace s18  }
0x93: {  	s3 =	sld [smem:$0x3FFC];
	_ =	sdelay $0x3  }
0x94: {  	_ =	strace s3  }
0x95: {  	s3 =	sld [smem:$0x3FFD];
	_ =	sdelay $0x3  }
0x96: {  	_ =	strace s3  }
0x97: {  	_ =	strace $0x8FFFFFFF  }
0x98: {  	s19 =	sld [smem:$0x3FDB];
	_ =	sdelay $0x1  }
0x99: {  	s4 =	simm.s32 $_scs_section_size  }
0x9a: {  	s5 =	simm.s32 $_size__tile_overlayer_lowered;
	s6 =	simm.s32 $_tile_overlayer_lowered  }
0x9b: {  	s22 =	simm.s32 $0x1BFF;
	s21 =	sshll.u32 s6, $0x1;
	s3 =	sadd.s32 s4, s19  }
0x9c: {  	s7 =	simm.s32 $0x0;
	s20 =	sshll.u32 s5, $0x1;
	s5 =	sadd.s32 s21, s3  }
0x9d: {  	[timem:s7], [sflag:s22] =	dma.local [hbm:s5], s20  }
0x9e: {  	_ =	swait.ge [sflag:s22], s20  }
0x9f: {  	s4 =	ssub.s32 $0x0, s20;
	[sflag:s22] =	ssyncset.done $0x0  }
0xa0: {  	[sflag:s22] =	ssyncadd.s32 s4;
	_ =	sdelay $0x1  }
0xa1: {  	s23 =	simm.s32 $0x1B8B  }
0xa2: {  	_ =	swait.ge [sflag:s23], $0x1  }
0xa3: {  	[sflag:s23] =	ssyncset.done $0x0  }
0xa4: {  	s25 =	simm.s32 $0x1B8E;
	s24 =	sld [smem:$0x3FFE];
	[sflag:s23] =	ssyncadd.s32 $0xFFFFFFFF  }
0xa5: {  	s26 =	simm.s32 $execute0_lowered;
	[smem:$0x3FD2] =	sst s25  }
0xa6: {  	s5 =	sshll.u32 s26, $0x1;
	_ =	strace $0x8000004C;
	[dreg:$0x1] =	wrdreg $0xFFFFFFFF  }
0xa7: {  	s28 =	simm.s32 $_size_execute0_lowered;
	s3 =	sadd.s32 s3, s5;
	[dreg:$0x0] =	wrdreg $0x0  }
0xa8: {  	s5 =	sshll.u32 s28, $0x1;
	[dreg:$0x2] =	wrdreg s3  }
0xa9: {  	[dreg:$0x3] =	wrdreg s5  }
0xaa: {  	[dreg:$0x4] =	wrdreg $0xC0  }
0xab: {  	_ =	task [dreg:s7], $0x5FFFF  }
0xac: {  	[dreg:$0x1] =	wrdreg $0xFFFFFFFF  }
0xad: {  	[dreg:$0x0] =	wrdreg $0x60  }
0xae: {  	[dreg:$0x2] =	wrdreg s2  }
0xaf: {  	[dreg:$0x3] =	wrdreg s24  }
0xb0: {  	[dreg:$0x4] =	wrdreg $0xA8000  }
0xb1: {  	[dreg:$0x5] =	wrdreg $0x9  }
0xb2: {  	_ =	task.clear_ibuf [dreg:s7], $0x6FFFF;
	_ =	strace $0x9000004C  }
0xb3: {  	s29 =	simm.s32 $0x9;
	_ =	strace $0x8000004E  }
0xb4: {  	_ =	swait.ge [sflag:s29], $0x1  }
0xb5: {  	[sflag:s29] =	ssyncadd.s32 $0xFFFFFFFF  }
0xb6: {  	_ =	strace $0x9000004E  }
0xb7: {  	_ =	sfence  }
0xb8: {  	s30 =	sld [smem:$0x0];
	_ =	sdelay $0x2  }
0xb9: {  	s31 =	sshll.u32 s1, $0xD;
	s1 =	sshrl.u32 s1, $0x2  }
0xba: {  	s3 =	sand.u32 $0x4000, s31;
	s1 =	sadd.s32 s1, s30  }
0xbb: {  	s0 =	sor.u32 s3, s0;
	s1 =	sshll.u32 s1, $0x11  }
0xbc: {  	s0 =	sor.u32 s1, s0  }
0xbd: {  	s0 =	sadd.s32 $0x8F2B, s0  }
0xbe: {  	[sflag:s0] =	ssyncadd.remote.s32 $0x1  }
0xbf: {  	_ =	sfence.sel $0xFFFF  }
0xc0: {  	[dreg:$0x0] =	wrdreg $0xFFFFFFFF;
	(pc) =	sbr.abs _section_cstart, $3  }
0xc1: {  	[dreg:$0x1] =	wrdreg $0xFFFFFFFF  }
0xc2: {  	_ =	task.clear_ibuf [dreg:s7], $0x2FFFF;
	_ =	strace $0x9FFFFFFF  }
0xc3: {  	(tm) =	ssettm $0x7FFFFFFF  }
tec
execute0_lowered:
.L_overlay_start_1:
0x0: {  	(tag) =	ssettag $0x1  }
0x1: {  	s1 =	rddreg [dreg:$0x0]  }
0x2: {  	s5 =	rddreg [dreg:$0x1]  }
0x3: {  	s3 =	rddreg [dreg:$0x2]  }
0x4: {  	s0 =	rddreg [dreg:$0x3]  }
0x5: {  	s4 =	simm.s32 $0x0;
	s2 =	stileid.u32;
	s6 =	srdreg.scid  }
0x6: {  	s16 =	simm.s32 $0x80;
	s17 =	simm.s32 $0x2800;
	s18 =	simm.s32 $0x1  }
0x7: {  	s19 =	simm.s32 $0x6800;
	s20 =	simm.s32 $0x2;
	s21 =	simm.s32 $0x1480  }
0x8: {  	s22 =	simm.s32 $0x3;
	s23 =	simm.s32 $0x100;
	[smem:$0x7FF] =	sst s4  }
0x9: {  	s7 =	smul.u32 $0x2780, s2;
	s6 =	sand.u32 $0x1, s6;
	s9 =	sadd.s32 $0x17800, s5  }
0xa: {  	s10 =	sadd.s32 $0xD800, s5;
	s24 =	smul.u32 $0x4F000, s2;
	s30 =	sshll.u32 s2, $0x6  }
0xb: {  	_ =	strace $0x8000004D;
	s8 =	smul.u32 $0x27800, s6;
	s12 =	sshll.u32 s6, $0x4  }
0xc: {  	s25 =	ssub.s32 $0x2, s6;
	s6 =	sor.u32 $0x1C05, s30;
	s11 =	sadd.s32 s7, s5  }
0xd: {  	s26 =	sor.u32 s2, s12;
	s28 =	sshrl.u32 s25, $0x1;
	s7 =	sadd.s32 s7, s8  }
0xe: {  	s8 =	sshrl.u32 s24, $0x2;
	s12 =	smul.u32 $0x2800, s26;
	s14 =	ssub.s32 s25, s28  }
0xf: {  	s29 =	smul.u32 $0x500, s26;
	s24 =	simm.s32 $0x4;
	s25 =	simm.s32 $0x0  }
.Ltmp0:
0x10: {  	s13 =	sadd.s32 s7, s5;
	s15 =	sadd.s32 s8, s3;
	(pc) =	sbr.rel .LBB2_1-.Ltmp0, $4  }
0x11: {  	s5 =	sadd.s32 $0x21800, s11;
	s31 =	sshrl.u32 s12, $0x3;
	s7 =	sadd.s32 s9, s29  }
0x12: {  	s8 =	sadd.s32 s10, s29;
	s12 =	smax.u32 s14, $0x1;
	s11 =	sadd.s32 $0x280, s31  }
0x13: {  	s14 =	simm.s32 $0x5;
	s9 =	sadd.s32 s9, s11;
	s10 =	sadd.s32 s10, s11  }
0x14: {  	s11 =	sadd.s32 $0x49000, s13;
	s13 =	sshrl.u32 s15, $0x3;
	s15 =	simm.s32 $0x1400  }
.LBB2_7:
0x15: {  	_ =	swait.ge [sflag:s24], $0x4000  }
0x16: {  	s25 =	sadd.s32 $0x1, s25;
	[sflag:s24] =	ssyncset.done $0x0  }
0x17: {  	p0 =	sne.s32 s25, s12;
	[sflag:s24] =	ssyncadd.s32 $0xFFFFC000  }
.Ltmp1:
0x18: {  	[bflag:$0x0] =	sbarrier.arrive $0xFFFF;
	(pc) =	sbr.rel @!p0 .LBB2_8-.Ltmp1, $4  }
0x19: {  	[hbm:s11], [sflag:s6] =	dma.local [spmem:s13], $0x2780  }
0x1a: {  	_ =	swait.ge [sflag:s14], $0x2780  }
0x1b: {  	[sflag:s14] =	ssyncset.done $0x0  }
0x1c: {  	[sflag:s14] =	ssyncadd.s32 $0xFFFFD880  }
.LBB2_1:
0x1d: {  	[spmem:s13], [sflag:s6] =	dma.local [hbm:s5], $0x2780  }
0x1e: {  	_ =	swait.ge [sflag:s14], $0x2780  }
0x1f: {  	[sflag:s14] =	ssyncset.done $0x0  }
0x20: {  	[sflag:s14] =	ssyncadd.s32 $0xFFFFD880  }
0x21: {  	[bflag:$0x0] =	sbarrier.arrive $0xFFFF  }
0x22: {  	[tilespmem:s4], [sflag:$0x5] =	stream.linear.gather [hbm4b:s7+s4], $0x1400, $0x38;
	[tilespmem:$0x1E400] =	vst v63  }
0x23: {  	_ =	swait.ge [sflag:s14], $0x1400  }
0x24: {  	[sflag:s14] =	ssyncset.done $0x0  }
0x25: {  	[sflag:s14] =	ssyncadd.s32 $0xFFFFEC00  }
0x26: {  	[tilespmem:s15], [sflag:$0x5] =	stream.linear.gather [hbm4b:s8+s4], $0x1400, $0x38;
	[tilespmem:$0x1E400] =	vst v63  }
0x27: {  	_ =	swait.ge [sflag:s14], $0x1400  }
0x28: {  	[sflag:s14] =	ssyncset.done $0x0  }
0x29: {  	[sflag:s14] =	ssyncadd.s32 $0xFFFFEC00  }
0x2a: {  	[tilespmem:s17], [sflag:$0x1] =	stream.indirect.gather [hbm4b:s1+s16], $0x80, s4, s16, $0xb8;
	[tilespmem:$0x1E400] =	vst v63  }
0x2b: {  	_ =	swait.ge [sflag:s18], $0x4000  }
0x2c: {  	[sflag:s18] =	ssyncset.done $0x0  }
0x2d: {  	[sflag:s18] =	ssyncadd.s32 $0xFFFFC000  }
0x2e: {  	[spmem:s3] =	stream.indirect.scatter.add.f32 [tilespmem:s17], [sflag:$0x3], $0x80, s15, s16, $0xb8;
	[tilespmem:$0x1E400] =	vst v63  }
0x2f: {  	_ = 	snop  }
0x30: {  	[tilespmem:s19], [sflag:$0x2] =	stream.indirect.gather [hbm4b:s1+s16], $0x80, s16, s16, $0xb8;
	[tilespmem:$0x1E400] =	vst v63  }
0x31: {  	_ =	swait.ge [sflag:s20], $0x4000  }
0x32: {  	[sflag:s20] =	ssyncset.done $0x0  }
0x33: {  	[sflag:s20] =	ssyncadd.s32 $0xFFFFC000  }
0x34: {  	[spmem:s3] =	stream.indirect.scatter.add.f32 [tilespmem:s19], [sflag:$0x4], $0x80, s21, s16, $0xb8;
	[tilespmem:$0x1E400] =	vst v63  }
0x35: {  	_ =	swait.ge [sflag:s22], $0x4000  }
0x36: {  	[sflag:s22] =	ssyncset.done $0x0  }
0x37: {  	s26 =	simm.s32 $0xFFFFB800;
	[sflag:s22] =	ssyncadd.s32 $0xFFFFC000  }
0x38: {  	[tilespmem:s17], [sflag:$0x1] =	stream.indirect.gather [hbm4b:s1+s16], $0x80, s23, s16, $0xb8;
	[tilespmem:$0x1E400] =	vst v63  }
.LBB2_2:
0x39: {  	_ =	swait.ge [sflag:s18], $0x4000  }
0x3a: {  	s28 =	sshra.s32 s26, $0x2;
	[sflag:s18] =	ssyncset.done $0x0  }
0x3b: {  	s29 =	sadd.s32 $0x2700, s28;
	[sflag:s18] =	ssyncadd.s32 $0xFFFFC000  }
0x3c: {  	[spmem:s3] =	stream.indirect.scatter.add.f32 [tilespmem:s17], [sflag:$0x3], $0x80, s29, s16, $0xb8;
	[tilespmem:$0x1E400] =	vst v63  }
0x3d: {  	_ =	swait.ge [sflag:s24], $0x4000  }
0x3e: {  	[sflag:s24] =	ssyncset.done $0x0  }
0x3f: {  	s30 =	sadd.s32 $0x1380, s28;
	[sflag:s24] =	ssyncadd.s32 $0xFFFFC000  }
0x40: {  	[tilespmem:s19], [sflag:$0x2] =	stream.indirect.gather [hbm4b:s1+s16], $0x80, s30, s16, $0xb8;
	[tilespmem:$0x1E400] =	vst v63  }
0x41: {  	_ =	swait.ge [sflag:s20], $0x4000  }
0x42: {  	p0 =	seq.s32 s26, $0x0;
	[sflag:s20] =	ssyncset.done $0x0  }
.Ltmp2:
0x43: {  	s31 =	sadd.s32 $0x2780, s28;
	[sflag:s20] =	ssyncadd.s32 $0xFFFFC000;
	(pc) =	sbr.rel @p0 .LBB2_4-.Ltmp2, $4  }
0x44: {  	[spmem:s3] =	stream.indirect.scatter.add.f32 [tilespmem:s19], [sflag:$0x4], $0x80, s31, s16, $0xb8;
	[tilespmem:$0x1E400] =	vst v63  }
0x45: {  	_ =	swait.ge [sflag:s22], $0x4000  }
0x46: {  	[sflag:s22] =	ssyncset.done $0x0  }
0x47: {  	[sflag:s22] =	ssyncadd.s32 $0xFFFFC000  }
.Ltmp3:
0x48: {  	(pc) =	sbr.rel .LBB2_2-.Ltmp3, $3  }
0x49: {  	_ =	sdelay $0x1  }
0x4a: {  	s28 =	sadd.s32 $0x1400, s28;
	s26 =	sadd.s32 $0x400, s26  }
0x4b: {  	[tilespmem:s17], [sflag:$0x1] =	stream.indirect.gather [hbm4b:s1+s16], $0x80, s28, s16, $0xb8;
	[tilespmem:$0x1E400] =	vst v63  }
.LBB2_4:
0x4c: {  	_ =	swait.ge [sflag:s24], $0x4000  }
0x4d: {  	[sflag:s24] =	ssyncset.done $0x0  }
0x4e: {  	[sflag:s24] =	ssyncadd.s32 $0xFFFFC000  }
0x4f: {  	[tilespmem:s4], [sflag:$0x5] =	stream.linear.gather [hbm4b:s9+s4], $0x1400, $0x38;
	[tilespmem:$0x1E400] =	vst v63  }
0x50: {  	_ =	swait.ge [sflag:s14], $0x1400  }
0x51: {  	[sflag:s14] =	ssyncset.done $0x0  }
0x52: {  	[sflag:s14] =	ssyncadd.s32 $0xFFFFEC00  }
0x53: {  	[tilespmem:s15], [sflag:$0x5] =	stream.linear.gather [hbm4b:s10+s4], $0x1400, $0x38;
	[tilespmem:$0x1E400] =	vst v63  }
0x54: {  	_ =	swait.ge [sflag:s14], $0x1400  }
0x55: {  	[sflag:s14] =	ssyncset.done $0x0  }
0x56: {  	[sflag:s14] =	ssyncadd.s32 $0xFFFFEC00  }
0x57: {  	[tilespmem:s17], [sflag:$0x1] =	stream.indirect.gather [hbm4b:s1+s16], $0x80, s4, s16, $0xb8;
	[tilespmem:$0x1E400] =	vst v63  }
0x58: {  	_ =	swait.ge [sflag:s18], $0x4000  }
0x59: {  	[sflag:s18] =	ssyncset.done $0x0  }
0x5a: {  	[sflag:s18] =	ssyncadd.s32 $0xFFFFC000  }
0x5b: {  	[spmem:s3] =	stream.indirect.scatter.add.f32 [tilespmem:s17], [sflag:$0x3], $0x80, s15, s16, $0xb8;
	[tilespmem:$0x1E400] =	vst v63  }
0x5c: {  	_ = 	snop  }
0x5d: {  	[tilespmem:s19], [sflag:$0x2] =	stream.indirect.gather [hbm4b:s1+s16], $0x80, s16, s16, $0xb8;
	[tilespmem:$0x1E400] =	vst v63  }
0x5e: {  	_ =	swait.ge [sflag:s20], $0x4000  }
0x5f: {  	[sflag:s20] =	ssyncset.done $0x0  }
0x60: {  	[sflag:s20] =	ssyncadd.s32 $0xFFFFC000  }
0x61: {  	[spmem:s3] =	stream.indirect.scatter.add.f32 [tilespmem:s19], [sflag:$0x4], $0x80, s21, s16, $0xb8;
	[tilespmem:$0x1E400] =	vst v63  }
0x62: {  	_ =	swait.ge [sflag:s22], $0x4000  }
0x63: {  	[sflag:s22] =	ssyncset.done $0x0  }
0x64: {  	s26 =	simm.s32 $0xFFFFB800;
	[sflag:s22] =	ssyncadd.s32 $0xFFFFC000  }
0x65: {  	[tilespmem:s17], [sflag:$0x1] =	stream.indirect.gather [hbm4b:s1+s16], $0x80, s23, s16, $0xb8;
	[tilespmem:$0x1E400] =	vst v63  }
.LBB2_5:
0x66: {  	_ =	swait.ge [sflag:s18], $0x4000  }
0x67: {  	s28 =	sshra.s32 s26, $0x2;
	[sflag:s18] =	ssyncset.done $0x0  }
0x68: {  	s29 =	sadd.s32 $0x2700, s28;
	[sflag:s18] =	ssyncadd.s32 $0xFFFFC000  }
0x69: {  	[spmem:s3] =	stream.indirect.scatter.add.f32 [tilespmem:s17], [sflag:$0x3], $0x80, s29, s16, $0xb8;
	[tilespmem:$0x1E400] =	vst v63  }
0x6a: {  	_ =	swait.ge [sflag:s24], $0x4000  }
0x6b: {  	[sflag:s24] =	ssyncset.done $0x0  }
0x6c: {  	s30 =	sadd.s32 $0x1380, s28;
	[sflag:s24] =	ssyncadd.s32 $0xFFFFC000  }
0x6d: {  	[tilespmem:s19], [sflag:$0x2] =	stream.indirect.gather [hbm4b:s1+s16], $0x80, s30, s16, $0xb8;
	[tilespmem:$0x1E400] =	vst v63  }
0x6e: {  	_ =	swait.ge [sflag:s20], $0x4000  }
0x6f: {  	p0 =	seq.s32 s26, $0x0;
	[sflag:s20] =	ssyncset.done $0x0  }
.Ltmp4:
0x70: {  	s31 =	sadd.s32 $0x2780, s28;
	[sflag:s20] =	ssyncadd.s32 $0xFFFFC000;
	(pc) =	sbr.rel @p0 .LBB2_7-.Ltmp4, $4  }
0x71: {  	[spmem:s3] =	stream.indirect.scatter.add.f32 [tilespmem:s19], [sflag:$0x4], $0x80, s31, s16, $0xb8;
	[tilespmem:$0x1E400] =	vst v63  }
0x72: {  	_ =	swait.ge [sflag:s22], $0x4000  }
0x73: {  	[sflag:s22] =	ssyncset.done $0x0  }
0x74: {  	[sflag:s22] =	ssyncadd.s32 $0xFFFFC000  }
.Ltmp5:
0x75: {  	(pc) =	sbr.rel .LBB2_5-.Ltmp5, $3  }
0x76: {  	_ =	sdelay $0x1  }
0x77: {  	s28 =	sadd.s32 $0x1400, s28;
	s26 =	sadd.s32 $0x400, s26  }
0x78: {  	[tilespmem:s17], [sflag:$0x1] =	stream.indirect.gather [hbm4b:s1+s16], $0x80, s28, s16, $0xb8;
	[tilespmem:$0x1E400] =	vst v63  }
.LBB2_8:
0x79: {  	_ =	sfence.sel $0x180000  }
0x7a: {  	[bflag:$0x0] =	sbarrier.arrive $0xFFFF  }
0x7b: {  	p0 =	sne.s32 s2, $0x0;
	_ =	strace $0x9000004D  }
0x7c: {  	s0 =	sadd.s32 @!p0 $0x100000, s0;
	[bflag:$0x2] =	sbarrier.arrive $0xFFFF  }
0x7d: {  	[sflag:s0] =	ssyncadd.tile.s32 @!p0 $0x1;
	_ =	shalt  }
.Lfunc_end2:
_tile_overlayer_lowered:
.L_overlay_start_2:
0x7e: {  	(tag) =	ssettag $0x2  }
0x7f: {  	s0 =	rddreg [dreg:$0x0];
	s2 =	stileid.u32  }
0x80: {  	s1 =	rddreg [dreg:$0x1];
	p0 =	sne.s32 s2, $0x0  }
0x81: {  	s3 =	rddreg [dreg:$0x2];
	[bflag:$0x3] =	sbarrier.arrive $0xFFFF;
	s2 =	simm.s32 @!p0 $0x1C05  }
0x82: {  	[timem:s3], [sflag:s2] =	dma.local @!p0 [hbm:s0], s1  }
0x83: {  	s0 =	simm.s32 @!p0 $0x5  }
0x84: {  	_ =	swait.ge @!p0 [sflag:s0], s1  }
0x85: {  	s1 =	ssub.s32 @!p0 $0x0, s1;
	[sflag:s0] =	ssyncset.done @!p0 $0x0  }
0x86: {  	[sflag:s0] =	ssyncadd.s32 @!p0 s1  }
0x87: {  	[bflag:$0x3] =	sbarrier.arrive $0xFFFF  }
0x88: {  	_ =	shalt  }

// kernel: kernel.9.cloned.1.call-start
scs
__scs_entry_jumppad:
0x0: {  	(pc) =	sbr.rel $0x88, $3  }
0x1: {  	(tag) =	ssettag $0x0;
	lr =	simm.s32 $0x1  }
0x2: {  	[smem:$0x3F93] =	sst lr;
	_ =	strace $0xD0000000  }
0x3: {  	_ = 	snop  }
0x4: {  	_ = 	snop  }
0x5: {  	_ = 	snop  }
0x6: {  	_ = 	snop  }
0x7: {  	_ = 	snop  }
__scs_overlays_trampoline_lowered:
0x8: {  	[smem:$0x3FA2] =	sst s0  }
0x9: {  	[smem:$0x3FA3] =	sst s1  }
0xa: {  	[smem:$0x3FA4] =	sst s2  }
0xb: {  	[smem:$0x3FA5] =	sst s3  }
0xc: {  	[smem:$0x3FA6] =	sst s4  }
0xd: {  	[smem:$0x3FA7] =	sst s5  }
0xe: {  	[smem:$0x3FA8] =	sst s6  }
0xf: {  	[smem:$0x3FA9] =	sst s7  }
0x10: {  	[smem:$0x3FAA] =	sst s8  }
0x11: {  	[smem:$0x3FAB] =	sst s9;
	s0 =	simm.s32 @!p0 $0x0  }
0x12: {  	s1 =	sld [smem:$0x3F91];
	s0 =	simm.s32 @p0 $0x1  }
0x13: {  	[smem:$0x3FAC] =	sst s0;
	s0 =	simm.s32 @!p1 $0x0  }
0x14: {  	s2 =	sld [smem:$0x3F90];
	s0 =	simm.s32 @p1 $0x1  }
0x15: {  	[smem:$0x3FAD] =	sst s0;
	s0 =	simm.s32 @!p2 $0x0  }
0x16: {  	s3 =	sld [smem:$0x3FDB];
	s0 =	simm.s32 @p2 $0x1  }
0x17: {  	s4 =	simm.s32 $0x1BF5;
	[smem:$0x3FAF] =	sst s0  }
0x18: {  	s0 =	sld [smem:$0x3F92];
	_ =	swait.ge [sflag:s4], $0x0  }
0x19: {  	s7 =	sld [smem:$0x3F93]  }
0x1a: {  	s8 =	sadd.s32 $0xFFFFE003, lr  }
0x1b: {  	s9 =	sadd.s32 $0xFFFFFEF7, lr;
	s5 =	simm.s32 $0xFFFFFFFF;
	p2 =	slt.u32 s8, $0xFFFFF086  }
0x1c: {  	p1 =	slt.u32 s9, $0xF7A;
	s5 =	simm.s32 @!p2 $0x0  }
0x1d: {  	s5 =	simm.s32 @p1 $0x1;
	p0 =	seq.s32 s7, s2  }
0x1e: {  	s7 =	smul.u32 @!p0 $0xF7A, s2;
	p2 =	seq.s32 @!p0 s5, $0x0  }
0x1f: {  	s9 =	smul.u32 $0xF7A, s1;
	s8 =	simm.s32 @!p0 $0x1BF5;
	p2 =	por !p2, p0  }
0x20: {  	[sflag:s8] =	ssyncset.s32 @!p0 $0xFFFFF086;
	s6 =	sadd.s32 @!p0 s3, s7;
	s7 =	simm.s32 @!p0 $0x108  }
0x21: {  	s3 =	sadd.s32 s3, s9;
	s6 =	sadd.s32 @!p0 $0x88, s6;
	s7 =	simm.s32 @p2 $0x1082  }
0x22: {  	[simem:s7], [sflag:s8] =	dma.local @!p0 [hbm:s6], $0xF7A  }
0x23: {  	s9 =	sor.u32 $0xD0000000, s2;
	s6 =	simm.s32 $0x108;
	_ =	swait.ge @!p0 [sflag:s8], $0x0  }
0x24: {  	s3 =	sadd.s32 $0x88, s3;
	s6 =	simm.s32 @!p1 $0x1082;
	[sflag:s4] =	ssyncset.s32 $0xFFFFF086  }
0x25: {  	[simem:s6], [sflag:s4] =	dma.local [hbm:s3], $0xF7A  }
0x26: {  	[smem:$0x3F93] =	sst s1;
	(tag) =	ssettag s2;
	_ =	strace s9  }
0x27: {  	s1 =	sld [smem:$0x3FA3]  }
0x28: {  	s2 =	sld [smem:$0x3FA4]  }
0x29: {  	s4 =	sld [smem:$0x3FA6]  }
0x2a: {  	p0 =	seq.s32 s5, $0x0;
	s5 =	sld [smem:$0x3FA7]  }
0x2b: {  	s6 =	sld [smem:$0x3FA8]  }
0x2c: {  	s7 =	sld [smem:$0x3FA9]  }
0x2d: {  	s3 =	simm.s32 $0x108;
	s8 =	sld [smem:$0x3FAA]  }
0x2e: {  	s3 =	simm.s32 @!p0 $0x1082;
	s9 =	sld [smem:$0x3FAB]  }
0x2f: {  	lr =	sadd.s32 s0, s3;
	s0 =	sld [smem:$0x3FA2]  }
0x30: {  	s3 =	sld [smem:$0x3FA5]  }
0x31: {  	[smem:$0x3FAE] =	sst s10  }
0x32: {  	s10 =	sld [smem:$0x3FAC];
	_ =	sdelay $0x3  }
0x33: {  	p0 =	seq.s32 s10, $0x1;
	s10 =	sld [smem:$0x3FAE];
	_ =	sdelay $0x3  }
0x34: {  	[smem:$0x3FAE] =	sst s10  }
0x35: {  	s10 =	sld [smem:$0x3FAD];
	_ =	sdelay $0x3  }
0x36: {  	p1 =	seq.s32 s10, $0x1;
	s10 =	sld [smem:$0x3FAE];
	_ =	sdelay $0x3  }
0x37: {  	[smem:$0x3FAE] =	sst s10  }
0x38: {  	s10 =	sld [smem:$0x3FAF]  }
0x39: {  	_ = 	snop;
	(pc) =	sbr.ind lr, $3  }
0x3a: {  	_ = 	snop  }
0x3b: {  	_ = 	snop  }
0x3c: {  	p2 =	seq.s32 s10, $0x1;
	s10 =	sld [smem:$0x3FAE]  }
0x3d: {  	_ =	shalt  }
0x3e: {  	_ =	shalt  }
0x3f: {  	_ =	shalt  }
0x40: {  	_ =	shalt  }
0x41: {  	_ =	shalt  }
0x42: {  	_ =	shalt  }
0x43: {  	_ =	shalt  }
0x44: {  	_ =	shalt  }
0x45: {  	_ =	shalt  }
0x46: {  	_ =	shalt  }
0x47: {  	_ =	shalt  }
0x48: {  	_ =	shalt  }
0x49: {  	_ =	shalt  }
0x4a: {  	_ =	shalt  }
0x4b: {  	_ =	shalt  }
0x4c: {  	_ =	shalt  }
0x4d: {  	_ =	shalt  }
0x4e: {  	_ =	shalt  }
0x4f: {  	_ =	shalt  }
0x50: {  	_ =	shalt  }
0x51: {  	_ =	shalt  }
0x52: {  	_ =	shalt  }
0x53: {  	_ =	shalt  }
0x54: {  	_ =	shalt  }
0x55: {  	_ =	shalt  }
0x56: {  	_ =	shalt  }
0x57: {  	_ =	shalt  }
0x58: {  	_ =	shalt  }
0x59: {  	_ =	shalt  }
0x5a: {  	_ =	shalt  }
0x5b: {  	_ =	shalt  }
0x5c: {  	_ =	shalt  }
0x5d: {  	_ =	shalt  }
0x5e: {  	_ =	shalt  }
0x5f: {  	_ =	shalt  }
0x60: {  	_ =	shalt  }
0x61: {  	_ =	shalt  }
0x62: {  	_ =	shalt  }
0x63: {  	_ =	shalt  }
0x64: {  	_ =	shalt  }
0x65: {  	_ =	shalt  }
0x66: {  	_ =	shalt  }
0x67: {  	_ =	shalt  }
0x68: {  	_ =	shalt  }
0x69: {  	_ =	shalt  }
0x6a: {  	_ =	shalt  }
0x6b: {  	_ =	shalt  }
0x6c: {  	_ =	shalt  }
0x6d: {  	_ =	shalt  }
0x6e: {  	_ =	shalt  }
0x6f: {  	_ =	shalt  }
0x70: {  	_ =	shalt  }
0x71: {  	_ =	shalt  }
0x72: {  	_ =	shalt  }
0x73: {  	_ =	shalt  }
0x74: {  	_ =	shalt  }
0x75: {  	_ =	shalt  }
0x76: {  	_ =	shalt  }
0x77: {  	_ =	shalt  }
0x78: {  	_ =	shalt  }
0x79: {  	_ =	shalt  }
0x7a: {  	_ =	shalt  }
0x7b: {  	_ =	shalt  }
0x7c: {  	_ =	shalt  }
0x7d: {  	_ =	shalt  }
0x7e: {  	_ =	shalt  }
0x7f: {  	_ =	shalt  }
0x80: {  	_ =	shalt  }
0x81: {  	_ =	shalt  }
0x82: {  	_ =	shalt  }
0x83: {  	_ =	shalt  }
0x84: {  	_ =	shalt  }
0x85: {  	_ =	shalt  }
0x86: {  	_ =	shalt  }
0x87: {  	_ =	shalt  }
.Lfunc_end0:
.L_simem_size_0:
called_computation_lowered:
.L_overlay_start_0:
0x88: {  	s2 =	sld [smem:$0x3FD9]  }
0x89: {  	s3 =	sld [smem:$0x3FFE];
	_ =	sdelay $0x1  }
0x8a: {  	s1 =	srdreg.scid  }
0x8b: {  	s0 =	sand.u32 $0x1, s1  }
0x8c: {  	s17 =	sshll.u32 s0, $0xA;
	s2 =	sadd.s32 s3, s2  }
0x8d: {  	s2 =	sadd.s32 s2, s17  }
0x8e: {  	[smem:$0x3FBA] =	sst s2  }
0x8f: {  	_ = 	snop  }
0x90: {  	s2 =	sld [smem:$0x3FD0];
	(tm) =	ssettm $0x1  }
0x91: {  	s18 =	sld [smem:$0x3FFB];
	_ =	sdelay $0x3  }
0x92: {  	_ =	strace s18  }
0x93: {  	s3 =	sld [smem:$0x3FFC];
	_ =	sdelay $0x3  }
0x94: {  	_ =	strace s3  }
0x95: {  	s3 =	sld [smem:$0x3FFD];
	_ =	sdelay $0x3  }
0x96: {  	_ =	strace s3  }
0x97: {  	_ =	strace $0x8FFFFFFF  }
0x98: {  	s19 =	sld [smem:$0x3FDB];
	_ =	sdelay $0x1  }
0x99: {  	s4 =	simm.s32 $_scs_section_size  }
0x9a: {  	s5 =	simm.s32 $_size__tile_overlayer_lowered;
	s6 =	simm.s32 $_tile_overlayer_lowered  }
0x9b: {  	s22 =	simm.s32 $0x1BFF;
	s21 =	sshll.u32 s6, $0x1;
	s3 =	sadd.s32 s4, s19  }
0x9c: {  	s7 =	simm.s32 $0x0;
	s20 =	sshll.u32 s5, $0x1;
	s5 =	sadd.s32 s21, s3  }
0x9d: {  	[timem:s7], [sflag:s22] =	dma.local [hbm:s5], s20  }
0x9e: {  	_ =	swait.ge [sflag:s22], s20  }
0x9f: {  	s4 =	ssub.s32 $0x0, s20;
	[sflag:s22] =	ssyncset.done $0x0  }
0xa0: {  	[sflag:s22] =	ssyncadd.s32 s4;
	_ =	sdelay $0x1  }
0xa1: {  	s23 =	simm.s32 $0x1B8B  }
0xa2: {  	_ =	swait.ge [sflag:s23], $0x1  }
0xa3: {  	[sflag:s23] =	ssyncset.done $0x0  }
0xa4: {  	s25 =	simm.s32 $0x1B8E;
	s24 =	sld [smem:$0x3FFE];
	[sflag:s23] =	ssyncadd.s32 $0xFFFFFFFF  }
0xa5: {  	s26 =	simm.s32 $execute0_lowered;
	[smem:$0x3FD2] =	sst s25  }
0xa6: {  	s5 =	sshll.u32 s26, $0x1;
	_ =	strace $0x80000046;
	[dreg:$0x1] =	wrdreg $0xFFFFFFFF  }
0xa7: {  	s28 =	simm.s32 $_size_execute0_lowered;
	s3 =	sadd.s32 s3, s5;
	[dreg:$0x0] =	wrdreg $0x0  }
0xa8: {  	s5 =	sshll.u32 s28, $0x1;
	[dreg:$0x2] =	wrdreg s3  }
0xa9: {  	[dreg:$0x3] =	wrdreg s5  }
0xaa: {  	[dreg:$0x4] =	wrdreg $0xC0  }
0xab: {  	_ =	task [dreg:s7], $0x5FFFF  }
0xac: {  	[dreg:$0x1] =	wrdreg $0xFFFFFFFF  }
0xad: {  	[dreg:$0x0] =	wrdreg $0x60  }
0xae: {  	[dreg:$0x2] =	wrdreg s24  }
0xaf: {  	[dreg:$0x3] =	wrdreg s2  }
0xb0: {  	[dreg:$0x4] =	wrdreg $0x9  }
0xb1: {  	_ =	task.clear_ibuf [dreg:s7], $0x5FFFF;
	_ =	strace $0x90000046  }
0xb2: {  	s29 =	simm.s32 $0x9;
	_ =	strace $0x80000048  }
0xb3: {  	_ =	swait.ge [sflag:s29], $0x1  }
0xb4: {  	[sflag:s29] =	ssyncadd.s32 $0xFFFFFFFF  }
0xb5: {  	_ =	strace $0x90000048  }
0xb6: {  	_ =	sfence  }
0xb7: {  	s30 =	sld [smem:$0x0];
	_ =	sdelay $0x2  }
0xb8: {  	s31 =	sshll.u32 s1, $0xD;
	s1 =	sshrl.u32 s1, $0x2  }
0xb9: {  	s3 =	sand.u32 $0x4000, s31;
	s1 =	sadd.s32 s1, s30  }
0xba: {  	s0 =	sor.u32 s3, s0;
	s1 =	sshll.u32 s1, $0x11  }
0xbb: {  	s0 =	sor.u32 s1, s0  }
0xbc: {  	s0 =	sadd.s32 $0x8F2B, s0  }
0xbd: {  	[sflag:s0] =	ssyncadd.remote.s32 $0x1  }
0xbe: {  	_ =	sfence.sel $0xFFFF  }
0xbf: {  	[dreg:$0x0] =	wrdreg $0xFFFFFFFF;
	(pc) =	sbr.abs _section_cstart, $3  }
0xc0: {  	[dreg:$0x1] =	wrdreg $0xFFFFFFFF  }
0xc1: {  	_ =	task.clear_ibuf [dreg:s7], $0x2FFFF;
	_ =	strace $0x9FFFFFFF  }
0xc2: {  	(tm) =	ssettm $0x7FFFFFFF  }
0xc3: {  	_ =	shalt  }
tec
execute0_lowered:
.L_overlay_start_1:
0x0: {  	(tag) =	ssettag $0x1  }
0x1: {  	s4 =	rddreg [dreg:$0x0]  }
0x2: {  	s0 =	srdreg.scid;
	s5 =	rddreg [dreg:$0x1]  }
0x3: {  	s2 =	simm.s32 $0x0;
	s3 =	sand.u32 $0x1, s0;
	s0 =	stileid.u32  }
0x4: {  	[smem:$0x7FF] =	sst s2;
	s1 =	sshll.u32 s3, $0x4;
	s8 =	ssub.s32 $0x2, s3  }
0x5: {  	s3 =	sadd.s32 $0xD000, s4;
	s6 =	sor.u32 s0, s1;
	s1 =	rddreg [dreg:$0x2]  }
0x6: {  	_ =	strace $0x80000047;
	s9 =	sshrl.u32 s8, $0x1;
	s7 =	smul.u32 $0x500, s6  }
0x7: {  	s8 =	ssub.s32 s8, s9;
	s6 =	sshll.u32 s6, $0xB;
	s9 =	simm.s32 $0x0  }
0x8: {  	s5 =	sadd.s32 s5, s6;
	s6 =	smax.u32 s8, $0x1;
	s7 =	sadd.s32 s7, s4  }
0x9: {  	s8 =	simm.s32 $0x1;
	s4 =	sadd.s32 $0x3000, s7;
	s7 =	simm.s32 $0x2800  }
.LBB2_1:
0xa: {  	[tilespmem:s7], [sflag:$0x1] =	stream.linear.gather [hbm4b:s3+s2], $0x4000, $0x38;
	[tilespmem:$0x6800] =	vst v63  }
0xb: {  	_ =	swait.ge [sflag:s8], $0x4000  }
0xc: {  	[sflag:s8] =	ssyncset.done $0x0  }
0xd: {  	[sflag:s8] =	ssyncadd.s32 $0xFFFFC000  }
0xe: {  	[tilespmem:s2], [sflag:$0x1] =	stream.linear.gather [hbm4b:s4+s2], $0x2800, $0x38;
	[tilespmem:$0x6800] =	vst v63  }
0xf: {  	_ =	swait.ge [sflag:s8], $0x2800  }
0x10: {  	[sflag:s8] =	ssyncset.done $0x0  }
0x11: {  	s10 =	simm.s32 $0x0;
	[sflag:s8] =	ssyncadd.s32 $0xFFFFD800  }
.LBB2_2:
0x12: {  	s11 =	sshra.s32 s10, $0x2  }
0x13: {  	v0 =	vld [tilespmem:s11+$0x0];
	_ =	sdelay $0x4  }
0x14: {  	(xrf1) =	vunique.msk.u32 $0xffff, v0;
	_ =	sdelay $0xd  }
0x15: {  	_, v1, vm0 =	vpop (xrf1);
	_ =	sdelay $0x3  }
0x16: {  	v1 =	vcvt.s32.f32 v1;
	_ =	sdelay $0x1  }
0x17: {  	[tilespmem:v0+s7+$0x0] =	vst.idx.add.f32.msk vm0, v1  }
0x18: {  	v0 =	vld [tilespmem:s11+$0x10];
	_ =	sdelay $0x4  }
0x19: {  	(xrf1) =	vunique.msk.u32 $0xffff, v0;
	_ =	sdelay $0xd  }
0x1a: {  	_, v1, vm0 =	vpop (xrf1);
	_ =	sdelay $0x3  }
0x1b: {  	v1 =	vcvt.s32.f32 v1;
	_ =	sdelay $0x1  }
0x1c: {  	[tilespmem:v0+s7+$0x0] =	vst.idx.add.f32.msk vm0, v1  }
0x1d: {  	v0 =	vld [tilespmem:s11+$0x20];
	_ =	sdelay $0x4  }
0x1e: {  	(xrf1) =	vunique.msk.u32 $0xffff, v0;
	_ =	sdelay $0xd  }
0x1f: {  	_, v1, vm0 =	vpop (xrf1);
	_ =	sdelay $0x3  }
0x20: {  	v1 =	vcvt.s32.f32 v1;
	_ =	sdelay $0x1  }
0x21: {  	[tilespmem:v0+s7+$0x0] =	vst.idx.add.f32.msk vm0, v1  }
0x22: {  	v0 =	vld [tilespmem:s11+$0x30];
	_ =	sdelay $0x4  }
0x23: {  	(xrf1) =	vunique.msk.u32 $0xffff, v0;
	_ =	sdelay $0xd  }
0x24: {  	_, v1, vm0 =	vpop (xrf1);
	_ =	sdelay $0x3  }
0x25: {  	v1 =	vcvt.s32.f32 v1;
	_ =	sdelay $0x1  }
0x26: {  	[tilespmem:v0+s7+$0x0] =	vst.idx.add.f32.msk vm0, v1  }
0x27: {  	v0 =	vld [tilespmem:s11+$0x40];
	_ =	sdelay $0x4  }
0x28: {  	(xrf1) =	vunique.msk.u32 $0xffff, v0;
	_ =	sdelay $0xd  }
0x29: {  	_, v1, vm0 =	vpop (xrf1);
	_ =	sdelay $0x3  }
0x2a: {  	v1 =	vcvt.s32.f32 v1;
	_ =	sdelay $0x1  }
0x2b: {  	[tilespmem:v0+s7+$0x0] =	vst.idx.add.f32.msk vm0, v1  }
0x2c: {  	v0 =	vld [tilespmem:s11+$0x50];
	_ =	sdelay $0x4  }
0x2d: {  	(xrf1) =	vunique.msk.u32 $0xffff, v0;
	_ =	sdelay $0xd  }
0x2e: {  	_, v1, vm0 =	vpop (xrf1);
	_ =	sdelay $0x3  }
0x2f: {  	v1 =	vcvt.s32.f32 v1;
	_ =	sdelay $0x1  }
0x30: {  	[tilespmem:v0+s7+$0x0] =	vst.idx.add.f32.msk vm0, v1  }
0x31: {  	v0 =	vld [tilespmem:s11+$0x60];
	_ =	sdelay $0x4  }
0x32: {  	(xrf1) =	vunique.msk.u32 $0xffff, v0;
	_ =	sdelay $0xd  }
0x33: {  	_, v1, vm0 =	vpop (xrf1);
	_ =	sdelay $0x3  }
0x34: {  	v1 =	vcvt.s32.f32 v1;
	_ =	sdelay $0x1  }
0x35: {  	[tilespmem:v0+s7+$0x0] =	vst.idx.add.f32.msk vm0, v1  }
0x36: {  	v0 =	vld [tilespmem:s11+$0x70];
	_ =	sdelay $0x4  }
0x37: {  	(xrf1) =	vunique.msk.u32 $0xffff, v0;
	_ =	sdelay $0xd  }
0x38: {  	_, v1, vm0 =	vpop (xrf1)  }
0x39: {  	p0 =	sne.s32 s10, $0x9E00  }
.Ltmp0:
0x3a: {  	_ = 	snop;
	(pc) =	sbr.rel @p0 .LBB2_2-.Ltmp0, $3  }
0x3b: {  	_ = 	snop  }
0x3c: {  	v1 =	vcvt.s32.f32 v1;
	_ =	sdelay $0x1  }
0x3d: {  	s10 =	sadd.s32 $0x200, s10;
	[tilespmem:v0+s7+$0x0] =	vst.idx.add.f32.msk vm0, v1  }
0x3e: {  	s9 =	sadd.s32 $0x1, s9  }
0x3f: {  	p0 =	sne.s32 s9, s6  }
.Ltmp1:
0x40: {  	_ = 	snop;
	(pc) =	sbr.rel @p0 .LBB2_1-.Ltmp1, $4  }
0x41: {  	[hbm4b:s5+s2] =	stream.linear.scatter [tilespmem:s7], [sflag:$0x1], $0x4000, $0x38;
	[tilespmem:$0x6800] =	vst v63  }
0x42: {  	_ =	swait.ge [sflag:s8], $0x4000  }
0x43: {  	[sflag:s8] =	ssyncset.done $0x0  }
0x44: {  	[sflag:s8] =	ssyncadd.s32 $0xFFFFC000  }
0x45: {  	_ =	sfence.sel $0x180000  }
0x46: {  	[bflag:$0x0] =	sbarrier.arrive $0xFFFF  }
0x47: {  	p0 =	sne.s32 s0, $0x0;
	_ =	strace $0x90000047  }
0x48: {  	s0 =	sadd.s32 @!p0 $0x100000, s1;
	[bflag:$0x2] =	sbarrier.arrive $0xFFFF  }
0x49: {  	[sflag:s0] =	ssyncadd.tile.s32 @!p0 $0x1;
	_ =	shalt  }
.Lfunc_end2:
_tile_overlayer_lowered:
.L_overlay_start_2:
0x4a: {  	(tag) =	ssettag $0x2  }
0x4b: {  	s0 =	rddreg [dreg:$0x0];
	s2 =	stileid.u32  }
0x4c: {  	s1 =	rddreg [dreg:$0x1];
	p0 =	sne.s32 s2, $0x0  }
0x4d: {  	s3 =	rddreg [dreg:$0x2];
	[bflag:$0x3] =	sbarrier.arrive $0xFFFF;
	s2 =	simm.s32 @!p0 $0x1C01  }
0x4e: {  	[timem:s3], [sflag:s2] =	dma.local @!p0 [hbm:s0], s1  }
0x4f: {  	s0 =	simm.s32 @!p0 $0x1  }
0x50: {  	_ =	swait.ge @!p0 [sflag:s0], s1  }
0x51: {  	s1 =	ssub.s32 @!p0 $0x0, s1;
	[sflag:s0] =	ssyncset.done @!p0 $0x0  }
0x52: {  	[sflag:s0] =	ssyncadd.s32 @!p0 s1  }
0x53: {  	[bflag:$0x3] =	sbarrier.arrive $0xFFFF  }
0x54: {  	_ =	shalt  }

</sc_bundles>
